<compile_context>
chip_gen: v7x
topology: tpu7x:2x2x1
jax: 0.10.2.dev20260603
libtpu: 0.0.44.dev20260713+nightly
codegen_flags: <defaults>
</compile_context>

<pallas_src>
import functools

import jax
import jax.numpy as jnp
from jax import lax
from jax.experimental import pallas as pl
from jax.experimental.pallas import tpu as pltpu
from jax.experimental.pallas import tpu_sc as plsc

N_NODES = 10000
N_EDGES = 320000
D = 128

NC = 2
NS = 16
NW = NC * NS
E_PER_TILE = N_EDGES // NW
CHUNK = 80
N_CHUNKS = E_PER_TILE // CHUNK
GROUPS = CHUNK // 16

_mesh = plsc.VectorSubcoreMesh(core_axis_name="c", subcore_axis_name="s")

_GATHER_DIMS = lax.GatherDimensionNumbers(
    offset_dims=(), collapsed_slice_dims=(0,), start_index_map=(0,))


def _shuffle(v, perm):
    return lax.gather(v, perm[:, None], _GATHER_DIMS, slice_sizes=(1,),
                      mode=lax.GatherScatterMode.PROMISE_IN_BOUNDS)


def _halves(u):
    lo = plsc.bitcast(u << jnp.uint32(16), jnp.float32)
    hi = plsc.bitcast(u, jnp.float32)
    return lo, hi


@functools.partial(
    pl.kernel,
    mesh=_mesh,
    compiler_params=pltpu.CompilerParams(needs_layout_passes=False,
                                         use_tc_tiling_on_sc=False),
    out_type=jax.ShapeDtypeStruct((N_EDGES,), jnp.float32),
    scratch_types=[
        pltpu.VMEM((E_PER_TILE,), jnp.int32),
        pltpu.VMEM((E_PER_TILE,), jnp.int32),
        pltpu.VMEM((CHUNK, D // 2), jnp.uint32),
        pltpu.VMEM((CHUNK, D // 2), jnp.uint32),
        pltpu.VMEM((CHUNK, D // 2), jnp.uint32),
        pltpu.VMEM((CHUNK, D // 2), jnp.uint32),
        pltpu.VMEM((E_PER_TILE,), jnp.float32),
        pltpu.VMEM_SHARED((N_NODES, D // 2), jnp.uint32),
        pltpu.SemaphoreType.DMA,
        pltpu.SemaphoreType.DMA,
    ],
)
def _decode(z_hbm, ei_hbm, out_hbm, idx_r, idx_c,
            rr0, rc0, rr1, rc1, out_v, z_sp, sem0, sem1):
    sid = lax.axis_index("s")
    wid = sid * NC + lax.axis_index("c")
    base = wid * E_PER_TILE

    @pl.when(sid == 0)
    def _():
        pltpu.sync_copy(z_hbm, z_sp)

    pltpu.sync_copy(ei_hbm.at[0, pl.ds(base, E_PER_TILE)], idx_r)
    pltpu.sync_copy(ei_hbm.at[1, pl.ds(base, E_PER_TILE)], idx_c)
    plsc.subcore_barrier()

    lane = lax.iota(jnp.int32, 16)

    def start(ci, rr, rc, sem):
        o = ci * CHUNK
        pltpu.async_copy(z_sp.at[idx_r.at[pl.ds(o, CHUNK)]], rr, sem)
        pltpu.async_copy(z_sp.at[idx_c.at[pl.ds(o, CHUNK)]], rc, sem)

    def drain(rr, rc, sem):
        pltpu.make_async_copy(z_hbm.at[pl.ds(0, CHUNK)], rr, sem).wait()
        pltpu.make_async_copy(z_hbm.at[pl.ds(0, CHUNK)], rc, sem).wait()

    def compute(off, rr, rc):
        @plsc.parallel_loop(0, GROUPS)
        def group_body(g):
            e0 = g * 16

            @plsc.parallel_loop(0, 4, carry=jnp.zeros((16,), jnp.float32))
            def v(q, v):
                ss = []
                for u in range(4):
                    ec = e0 + 4 * q + u
                    p = []
                    for k in range(D // 32):
                        rlo, rhi = _halves(rr[ec, pl.ds(16 * k, 16)])
                        clo, chi = _halves(rc[ec, pl.ds(16 * k, 16)])
                        p.append(rlo * clo)
                        p.append(rhi * chi)
                    ss.append(((p[0] + p[1]) + (p[2] + p[3]))
                              + ((p[4] + p[5]) + (p[6] + p[7])))
                f = [s + _shuffle(s, lane ^ 8) for s in ss]
                m01 = jnp.where(lane < 8, f[0], f[1])
                m23 = jnp.where(lane < 8, f[2], f[3])
                m01 = m01 + _shuffle(m01, lane ^ 4)
                m23 = m23 + _shuffle(m23, lane ^ 4)
                mall = jnp.where((lane & 4) == 0, m01, m23)
                mall = mall + _shuffle(mall, lane ^ 2)
                mall = mall + _shuffle(mall, lane ^ 1)
                lu = lane & 3
                t = _shuffle(mall, ((lu & 1) << 3) | ((lu & 2) << 1))
                return jnp.where((lane >> 2) == q, t, v)

            out_v[pl.ds(off + e0, 16)] = 1.0 / (1.0 + jnp.exp(-v))

    start(0, rr0, rc0, sem0)

    def pipe_body(i, carry):
        ci = 2 * i
        start(ci + 1, rr1, rc1, sem1)
        drain(rr0, rc0, sem0)
        compute(ci * CHUNK, rr0, rc0)
        start(ci + 2, rr0, rc0, sem0)
        drain(rr1, rc1, sem1)
        compute((ci + 1) * CHUNK, rr1, rc1)
        return carry

    lax.fori_loop(0, (N_CHUNKS - 1) // 2, pipe_body, 0)
    drain(rr0, rc0, sem0)
    compute((N_CHUNKS - 1) * CHUNK, rr0, rc0)
    pltpu.sync_copy(out_v, out_hbm.at[pl.ds(base, E_PER_TILE)])


def _round_bf16_bits(u):
    return (u + jnp.uint32(0x7FFF) + ((u >> 16) & jnp.uint32(1))) >> 16


def kernel(z, edge_index):
    u = lax.bitcast_convert_type(z, jnp.uint32)
    ua = _round_bf16_bits(u[:, : D // 2])
    ub = _round_bf16_bits(u[:, D // 2:])
    zp = ua | (ub << 16)
    return _decode(zp, edge_index.astype(jnp.int32))

# --- scband reference (transcript-rebuilt; emitter-appended) ---
"""Pipeline reference for scband-graph-decoder-30855045054466 (READ-ONLY COPY).

The authoritative reference and input builder live on the scoring server;
editing this copy changes nothing except your own understanding.
"""

import jax, jax.numpy as jnp
import numpy as np


def setup_inputs(seed: int = 0) -> dict:
    key = jax.random.key(seed)
    k1, k2 = jax.random.split(key)
    n_nodes = 10000
    n_edges = 320000
    d = 128
    z = jax.random.normal(k1, (n_nodes, d), dtype=jnp.float32)
    edge_index = jax.random.randint(k2, (2, n_edges), 0, n_nodes, dtype=jnp.int64)
    return {"z": z, "edge_index": edge_index}


def reference(z, edge_index):
    # GraphDecoder.forward dispatches to InnerProductDecoder:
    # value = (z[edge_index[0]] * z[edge_index[1]]).sum(dim=1); sigmoid(value)
    row = edge_index[0]
    col = edge_index[1]
    zr = jnp.take(z, row, axis=0)
    zc = jnp.take(z, col, axis=0)
    value = jnp.sum(zr * zc, axis=1)
    return jax.nn.sigmoid(value)

if __name__ == "__main__":
    import jax
    _d = setup_inputs()
    print(jax.jit(kernel)(*tuple(_d.values())))

</pallas_src>

<mosaic_0001>
#map = affine_map<(d0, d1) -> (0, 0)>
#map1 = affine_map<(d0, d1) -> (0)>
module attributes {stable_mosaic.version = 14 : i64} {
  func.func @_decode(%arg0: i32, %arg1: i32, %arg2: memref<10000x64xi32, #tpu.memory_space<hbm>>, %arg3: memref<2x320000xi32, #tpu.memory_space<hbm>>, %arg4: memref<320000xf32, #tpu.memory_space<hbm>>, %arg5: memref<10000xi32, #tpu.memory_space<vmem>>, %arg6: memref<10000xi32, #tpu.memory_space<vmem>>, %arg7: memref<80x64xi32, #tpu.memory_space<vmem>>, %arg8: memref<80x64xi32, #tpu.memory_space<vmem>>, %arg9: memref<80x64xi32, #tpu.memory_space<vmem>>, %arg10: memref<80x64xi32, #tpu.memory_space<vmem>>, %arg11: memref<10000xf32, #tpu.memory_space<vmem>>, %arg12: memref<10000x64xi32, #tpu.memory_space<vmem_shared>>, %arg13: memref<!tpu.dma_semaphore, #tpu.memory_space<semaphore_mem>>, %arg14: memref<!tpu.dma_semaphore, #tpu.memory_space<semaphore_mem>>) attributes {dimension_semantics = [#tpu.dimension_semantics<core_parallel>, #tpu.dimension_semantics<subcore_parallel>], iteration_bounds = array<i64: 2, 16>, scalar_prefetch = 0 : i64, scratch_operands = 10 : i64, tpu.core_type = #tpu.core_type<sc_vector_subcore>, window_params = [{transform_indices = #map}, {transform_indices = #map}, {transform_indices = #map1}]} {
    %mul3A = arith.constant 2 : i32
    %mul3A_0 = arith.muli %arg1, %mul3A : i32
    %add3A = arith.addi %mul3A_0, %arg0 : i32
    %mul3A_1 = arith.constant 10000 : i32
    %mul3A_2 = arith.muli %add3A, %mul3A_1 : i32
    %eq3A = arith.constant 0 : i32
    %eq3A_3 = arith.cmpi eq, %arg1, %eq3A : i32
    %convert_element_type3A = arith.extui %eq3A_3 : i1 to i32
    %cond3A = arith.constant 0 : i32
    %cond3A_4 = arith.cmpi ne, %convert_element_type3A, %cond3A : i32
    scf.if %cond3A_4 {
      "tpu.region"() ({
        %run_scoped3A_33 = tpu.sem_alloc : memref<!tpu.dma_semaphore, #tpu.memory_space<semaphore_mem>>
        tpu.enqueue_dma source(%arg2 : memref<10000x64xi32, #tpu.memory_space<hbm>>) target(%arg12 : memref<10000x64xi32, #tpu.memory_space<vmem_shared>>) target_semaphore(%run_scoped3A_33 : memref<!tpu.dma_semaphore, #tpu.memory_space<semaphore_mem>>)
        tpu.wait_dma2 semaphore(%run_scoped3A_33 : memref<!tpu.dma_semaphore, #tpu.memory_space<semaphore_mem>>) src(%arg2 : memref<10000x64xi32, #tpu.memory_space<hbm>>) dst(%arg12 : memref<10000x64xi32, #tpu.memory_space<vmem_shared>>)
        tpu.yield
      }) : () -> ()
    } else {
    }
    %run_scoped3A = arith.constant 0 : i32
    "tpu.region"() ({
      %run_scoped3A_33 = tpu.sem_alloc : memref<!tpu.dma_semaphore, #tpu.memory_space<semaphore_mem>>
      %dma_start3A_34 = tpu.memref_slice %arg3[%run_scoped3A, %mul3A_2] : memref<2x320000xi32, #tpu.memory_space<hbm>> -> memref<1x10000xi32, #tpu.memory_space<hbm>>
      %dma_start3A_35 = tpu.memref_squeeze %dma_start3A_34 : memref<1x10000xi32, #tpu.memory_space<hbm>> -> memref<10000xi32, #tpu.memory_space<hbm>>
      %dma_start3A_36 = tpu.memref_slice %arg3[%run_scoped3A, %mul3A_2] : memref<2x320000xi32, #tpu.memory_space<hbm>> -> memref<1x10000xi32, #tpu.memory_space<hbm>>
      %dma_start3A_37 = tpu.memref_squeeze %dma_start3A_36 : memref<1x10000xi32, #tpu.memory_space<hbm>> -> memref<10000xi32, #tpu.memory_space<hbm>>
      tpu.enqueue_dma source(%dma_start3A_37 : memref<10000xi32, #tpu.memory_space<hbm>>) target(%arg5 : memref<10000xi32, #tpu.memory_space<vmem>>) target_semaphore(%run_scoped3A_33 : memref<!tpu.dma_semaphore, #tpu.memory_space<semaphore_mem>>)
      %dma_wait3A_38 = tpu.memref_slice %arg3[%run_scoped3A, %mul3A_2] : memref<2x320000xi32, #tpu.memory_space<hbm>> -> memref<1x10000xi32, #tpu.memory_space<hbm>>
      %dma_wait3A_39 = tpu.memref_squeeze %dma_wait3A_38 : memref<1x10000xi32, #tpu.memory_space<hbm>> -> memref<10000xi32, #tpu.memory_space<hbm>>
      %dma_wait3A_40 = tpu.memref_slice %arg3[%run_scoped3A, %mul3A_2] : memref<2x320000xi32, #tpu.memory_space<hbm>> -> memref<1x10000xi32, #tpu.memory_space<hbm>>
      %dma_wait3A_41 = tpu.memref_squeeze %dma_wait3A_40 : memref<1x10000xi32, #tpu.memory_space<hbm>> -> memref<10000xi32, #tpu.memory_space<hbm>>
      tpu.wait_dma2 semaphore(%run_scoped3A_33 : memref<!tpu.dma_semaphore, #tpu.memory_space<semaphore_mem>>) src(%dma_wait3A_41 : memref<10000xi32, #tpu.memory_space<hbm>>) dst(%arg5 : memref<10000xi32, #tpu.memory_space<vmem>>)
      tpu.yield
    }) : () -> ()
    %run_scoped3A_5 = arith.constant 1 : i32
    "tpu.region"() ({
      %run_scoped3A_33 = tpu.sem_alloc : memref<!tpu.dma_semaphore, #tpu.memory_space<semaphore_mem>>
      %dma_start3A_34 = tpu.memref_slice %arg3[%run_scoped3A_5, %mul3A_2] : memref<2x320000xi32, #tpu.memory_space<hbm>> -> memref<1x10000xi32, #tpu.memory_space<hbm>>
      %dma_start3A_35 = tpu.memref_squeeze %dma_start3A_34 : memref<1x10000xi32, #tpu.memory_space<hbm>> -> memref<10000xi32, #tpu.memory_space<hbm>>
      %dma_start3A_36 = tpu.memref_slice %arg3[%run_scoped3A_5, %mul3A_2] : memref<2x320000xi32, #tpu.memory_space<hbm>> -> memref<1x10000xi32, #tpu.memory_space<hbm>>
      %dma_start3A_37 = tpu.memref_squeeze %dma_start3A_36 : memref<1x10000xi32, #tpu.memory_space<hbm>> -> memref<10000xi32, #tpu.memory_space<hbm>>
      tpu.enqueue_dma source(%dma_start3A_37 : memref<10000xi32, #tpu.memory_space<hbm>>) target(%arg6 : memref<10000xi32, #tpu.memory_space<vmem>>) target_semaphore(%run_scoped3A_33 : memref<!tpu.dma_semaphore, #tpu.memory_space<semaphore_mem>>)
      %dma_wait3A_38 = tpu.memref_slice %arg3[%run_scoped3A_5, %mul3A_2] : memref<2x320000xi32, #tpu.memory_space<hbm>> -> memref<1x10000xi32, #tpu.memory_space<hbm>>
      %dma_wait3A_39 = tpu.memref_squeeze %dma_wait3A_38 : memref<1x10000xi32, #tpu.memory_space<hbm>> -> memref<10000xi32, #tpu.memory_space<hbm>>
      %dma_wait3A_40 = tpu.memref_slice %arg3[%run_scoped3A_5, %mul3A_2] : memref<2x320000xi32, #tpu.memory_space<hbm>> -> memref<1x10000xi32, #tpu.memory_space<hbm>>
      %dma_wait3A_41 = tpu.memref_squeeze %dma_wait3A_40 : memref<1x10000xi32, #tpu.memory_space<hbm>> -> memref<10000xi32, #tpu.memory_space<hbm>>
      tpu.wait_dma2 semaphore(%run_scoped3A_33 : memref<!tpu.dma_semaphore, #tpu.memory_space<semaphore_mem>>) src(%dma_wait3A_41 : memref<10000xi32, #tpu.memory_space<hbm>>) dst(%arg6 : memref<10000xi32, #tpu.memory_space<vmem>>)
      tpu.yield
    }) : () -> ()
    %barrier3A = arith.constant 0 : index
    tpu.barrier barrier_id(%barrier3A)
    %iota3A = tpu.iota {dimensions = array<i32: 0>} : vector<16xi32>
    %dma_start3A = arith.constant 0 : i32
    %dma_start3A_6 = tpu.memref_slice %arg5[%dma_start3A] : memref<10000xi32, #tpu.memory_space<vmem>> -> memref<80xi32, #tpu.memory_space<vmem>>
    %dma_start3A_7 = arith.constant 0 : i32
    %dma_start3A_8 = arith.constant 0 : i32
    %dma_start3A_9 = tpu.memref_slice %arg12[%dma_start3A_7, %dma_start3A_8] : memref<10000x64xi32, #tpu.memory_space<vmem_shared>> -> memref<10000x64xi32, #tpu.memory_space<vmem_shared>>
    tpu.enqueue_indirect_dma source(%dma_start3A_9 : memref<10000x64xi32, #tpu.memory_space<vmem_shared>>) target(%arg7 : memref<80x64xi32, #tpu.memory_space<vmem>>) offsets(%dma_start3A_6 : memref<80xi32, #tpu.memory_space<vmem>>) semaphore(%arg13 : memref<!tpu.dma_semaphore, #tpu.memory_space<semaphore_mem>>)
    %dma_start3A_10 = arith.constant 0 : i32
    %dma_start3A_11 = tpu.memref_slice %arg6[%dma_start3A_10] : memref<10000xi32, #tpu.memory_space<vmem>> -> memref<80xi32, #tpu.memory_space<vmem>>
    %dma_start3A_12 = arith.constant 0 : i32
    %dma_start3A_13 = arith.constant 0 : i32
    %dma_start3A_14 = tpu.memref_slice %arg12[%dma_start3A_12, %dma_start3A_13] : memref<10000x64xi32, #tpu.memory_space<vmem_shared>> -> memref<10000x64xi32, #tpu.memory_space<vmem_shared>>
    tpu.enqueue_indirect_dma source(%dma_start3A_14 : memref<10000x64xi32, #tpu.memory_space<vmem_shared>>) target(%arg8 : memref<80x64xi32, #tpu.memory_space<vmem>>) offsets(%dma_start3A_11 : memref<80xi32, #tpu.memory_space<vmem>>) semaphore(%arg13 : memref<!tpu.dma_semaphore, #tpu.memory_space<semaphore_mem>>)
    %scan3A = arith.constant 0 : i32
    %scan3A_15 = arith.constant 0 : i32
    %scan3A_16 = arith.constant 62 : i32
    %scan3A_17 = arith.addi %scan3A_15, %scan3A_16 : i32
    %scan3A_18 = arith.constant 1 : i32
    scf.for %scan3A_33 = %scan3A_15 to %scan3A_17 step %scan3A_18  : i32 {
      %mul3A_34 = arith.constant 2 : i32
      %mul3A_35 = arith.muli %mul3A_34, %scan3A_33 : i32
      %add3A_36 = arith.constant 1 : i32
      %add3A_37 = arith.addi %mul3A_35, %add3A_36 : i32
      %mul3A_38 = arith.constant 80 : i32
      %mul3A_39 = arith.muli %add3A_37, %mul3A_38 : i32
      %dma_start3A_40 = tpu.memref_slice %arg5[%mul3A_39] : memref<10000xi32, #tpu.memory_space<vmem>> -> memref<80xi32, #tpu.memory_space<vmem>>
      %dma_start3A_41 = arith.constant 0 : i32
      %dma_start3A_42 = arith.constant 0 : i32
      %dma_start3A_43 = tpu.memref_slice %arg12[%dma_start3A_41, %dma_start3A_42] : memref<10000x64xi32, #tpu.memory_space<vmem_shared>> -> memref<10000x64xi32, #tpu.memory_space<vmem_shared>>
      tpu.enqueue_indirect_dma source(%dma_start3A_43 : memref<10000x64xi32, #tpu.memory_space<vmem_shared>>) target(%arg9 : memref<80x64xi32, #tpu.memory_space<vmem>>) offsets(%dma_start3A_40 : memref<80xi32, #tpu.memory_space<vmem>>) semaphore(%arg14 : memref<!tpu.dma_semaphore, #tpu.memory_space<semaphore_mem>>)
      %dma_start3A_44 = tpu.memref_slice %arg6[%mul3A_39] : memref<10000xi32, #tpu.memory_space<vmem>> -> memref<80xi32, #tpu.memory_space<vmem>>
      %dma_start3A_45 = arith.constant 0 : i32
      %dma_start3A_46 = arith.constant 0 : i32
      %dma_start3A_47 = tpu.memref_slice %arg12[%dma_start3A_45, %dma_start3A_46] : memref<10000x64xi32, #tpu.memory_space<vmem_shared>> -> memref<10000x64xi32, #tpu.memory_space<vmem_shared>>
      tpu.enqueue_indirect_dma source(%dma_start3A_47 : memref<10000x64xi32, #tpu.memory_space<vmem_shared>>) target(%arg10 : memref<80x64xi32, #tpu.memory_space<vmem>>) offsets(%dma_start3A_44 : memref<80xi32, #tpu.memory_space<vmem>>) semaphore(%arg14 : memref<!tpu.dma_semaphore, #tpu.memory_space<semaphore_mem>>)
      %dma_wait3A_48 = arith.constant 0 : i32
      %dma_wait3A_49 = arith.constant 0 : i32
      %dma_wait3A_50 = tpu.memref_slice %arg2[%dma_wait3A_48, %dma_wait3A_49] : memref<10000x64xi32, #tpu.memory_space<hbm>> -> memref<80x64xi32, #tpu.memory_space<hbm>>
      %dma_wait3A_51 = arith.constant 0 : i32
      %dma_wait3A_52 = arith.constant 0 : i32
      %dma_wait3A_53 = tpu.memref_slice %arg2[%dma_wait3A_51, %dma_wait3A_52] : memref<10000x64xi32, #tpu.memory_space<hbm>> -> memref<80x64xi32, #tpu.memory_space<hbm>>
      tpu.wait_dma2 semaphore(%arg13 : memref<!tpu.dma_semaphore, #tpu.memory_space<semaphore_mem>>) src(%dma_wait3A_53 : memref<80x64xi32, #tpu.memory_space<hbm>>) dst(%arg7 : memref<80x64xi32, #tpu.memory_space<vmem>>)
      %dma_wait3A_54 = arith.constant 0 : i32
      %dma_wait3A_55 = arith.constant 0 : i32
      %dma_wait3A_56 = tpu.memref_slice %arg2[%dma_wait3A_54, %dma_wait3A_55] : memref<10000x64xi32, #tpu.memory_space<hbm>> -> memref<80x64xi32, #tpu.memory_space<hbm>>
      %dma_wait3A_57 = arith.constant 0 : i32
      %dma_wait3A_58 = arith.constant 0 : i32
      %dma_wait3A_59 = tpu.memref_slice %arg2[%dma_wait3A_57, %dma_wait3A_58] : memref<10000x64xi32, #tpu.memory_space<hbm>> -> memref<80x64xi32, #tpu.memory_space<hbm>>
      tpu.wait_dma2 semaphore(%arg13 : memref<!tpu.dma_semaphore, #tpu.memory_space<semaphore_mem>>) src(%dma_wait3A_59 : memref<80x64xi32, #tpu.memory_space<hbm>>) dst(%arg8 : memref<80x64xi32, #tpu.memory_space<vmem>>)
      %mul3A_60 = arith.constant 80 : i32
      %mul3A_61 = arith.muli %mul3A_35, %mul3A_60 : i32
      %parallel_loop3A_62 = arith.constant 0 : i32
      %parallel_loop3A_63 = arith.constant 5 : i32
      %parallel_loop3A_64 = arith.constant 1 : i32
      scf.for %parallel_loop3A_96 = %parallel_loop3A_62 to %parallel_loop3A_63 step %parallel_loop3A_64  : i32 {
        %parallel_loop3A_97 = arith.constant 16 : i32
        %parallel_loop3A_98 = arith.muli %parallel_loop3A_96, %parallel_loop3A_97 : i32
        %parallel_loop3A_99 = arith.constant 0.000000e+00 : f32
        %parallel_loop3A_100 = vector.broadcast %parallel_loop3A_99 : f32 to vector<16xf32>
        %parallel_loop3A_101 = arith.constant 0 : i32
        %parallel_loop3A_102 = arith.constant 4 : i32
        %parallel_loop3A_103 = arith.constant 1 : i32
        %parallel_loop3A_104 = scf.for %parallel_loop3A_118 = %parallel_loop3A_101 to %parallel_loop3A_102 step %parallel_loop3A_103 iter_args(%parallel_loop3A_119 = %parallel_loop3A_100) -> (vector<16xf32>)  : i32 {
          %parallel_loop3A_120 = arith.constant 4 : i32
          %parallel_loop3A_121 = arith.muli %parallel_loop3A_120, %parallel_loop3A_118 : i32
          %parallel_loop3A_122 = arith.addi %parallel_loop3A_98, %parallel_loop3A_121 : i32
          %parallel_loop3A_123 = arith.constant 0 : i32
          %parallel_loop3A_124 = arith.addi %parallel_loop3A_122, %parallel_loop3A_123 : i32
          %parallel_loop3A_125 = arith.index_cast %parallel_loop3A_124 : i32 to index
          %parallel_loop3A_126 = arith.constant 0 : index
          %parallel_loop3A_127 = tpu.vector_load %arg7[%parallel_loop3A_125, %parallel_loop3A_126] {strides = array<i32>} : memref<80x64xi32, #tpu.memory_space<vmem>>, vector<16xi32>,
          %parallel_loop3A_128 = arith.constant 16 : i32
          %parallel_loop3A_129 = vector.broadcast %parallel_loop3A_128 : i32 to vector<16xi32>
          %parallel_loop3A_130 = arith.shli %parallel_loop3A_127, %parallel_loop3A_129 : vector<16xi32>
          %parallel_loop3A_131 = vector.bitcast %parallel_loop3A_130 : vector<16xi32> to vector<16xf32>
          %parallel_loop3A_132 = vector.bitcast %parallel_loop3A_127 : vector<16xi32> to vector<16xf32>
          %parallel_loop3A_133 = arith.index_cast %parallel_loop3A_124 : i32 to index
          %parallel_loop3A_134 = arith.constant 0 : index
          %parallel_loop3A_135 = tpu.vector_load %arg8[%parallel_loop3A_133, %parallel_loop3A_134] {strides = array<i32>} : memref<80x64xi32, #tpu.memory_space<vmem>>, vector<16xi32>,
          %parallel_loop3A_136 = arith.constant 16 : i32
          %parallel_loop3A_137 = vector.broadcast %parallel_loop3A_136 : i32 to vector<16xi32>
          %parallel_loop3A_138 = arith.shli %parallel_loop3A_135, %parallel_loop3A_137 : vector<16xi32>
          %parallel_loop3A_139 = vector.bitcast %parallel_loop3A_138 : vector<16xi32> to vector<16xf32>
          %parallel_loop3A_140 = vector.bitcast %parallel_loop3A_135 : vector<16xi32> to vector<16xf32>
          %parallel_loop3A_141 = arith.mulf %parallel_loop3A_131, %parallel_loop3A_139 : vector<16xf32>
          %parallel_loop3A_142 = arith.mulf %parallel_loop3A_132, %parallel_loop3A_140 : vector<16xf32>
          %parallel_loop3A_143 = arith.index_cast %parallel_loop3A_124 : i32 to index
          %parallel_loop3A_144 = arith.constant 16 : index
          %parallel_loop3A_145 = tpu.vector_load %arg7[%parallel_loop3A_143, %parallel_loop3A_144] {strides = array<i32>} : memref<80x64xi32, #tpu.memory_space<vmem>>, vector<16xi32>,
          %parallel_loop3A_146 = arith.constant 16 : i32
          %parallel_loop3A_147 = vector.broadcast %parallel_loop3A_146 : i32 to vector<16xi32>
          %parallel_loop3A_148 = arith.shli %parallel_loop3A_145, %parallel_loop3A_147 : vector<16xi32>
          %parallel_loop3A_149 = vector.bitcast %parallel_loop3A_148 : vector<16xi32> to vector<16xf32>
          %parallel_loop3A_150 = vector.bitcast %parallel_loop3A_145 : vector<16xi32> to vector<16xf32>
          %parallel_loop3A_151 = arith.index_cast %parallel_loop3A_124 : i32 to index
          %parallel_loop3A_152 = arith.constant 16 : index
          %parallel_loop3A_153 = tpu.vector_load %arg8[%parallel_loop3A_151, %parallel_loop3A_152] {strides = array<i32>} : memref<80x64xi32, #tpu.memory_space<vmem>>, vector<16xi32>,
          %parallel_loop3A_154 = arith.constant 16 : i32
          %parallel_loop3A_155 = vector.broadcast %parallel_loop3A_154 : i32 to vector<16xi32>
          %parallel_loop3A_156 = arith.shli %parallel_loop3A_153, %parallel_loop3A_155 : vector<16xi32>
          %parallel_loop3A_157 = vector.bitcast %parallel_loop3A_156 : vector<16xi32> to vector<16xf32>
          %parallel_loop3A_158 = vector.bitcast %parallel_loop3A_153 : vector<16xi32> to vector<16xf32>
          %parallel_loop3A_159 = arith.mulf %parallel_loop3A_149, %parallel_loop3A_157 : vector<16xf32>
          %parallel_loop3A_160 = arith.mulf %parallel_loop3A_150, %parallel_loop3A_158 : vector<16xf32>
          %parallel_loop3A_161 = arith.index_cast %parallel_loop3A_124 : i32 to index
          %parallel_loop3A_162 = arith.constant 32 : index
          %parallel_loop3A_163 = tpu.vector_load %arg7[%parallel_loop3A_161, %parallel_loop3A_162] {strides = array<i32>} : memref<80x64xi32, #tpu.memory_space<vmem>>, vector<16xi32>,
          %parallel_loop3A_164 = arith.constant 16 : i32
          %parallel_loop3A_165 = vector.broadcast %parallel_loop3A_164 : i32 to vector<16xi32>
          %parallel_loop3A_166 = arith.shli %parallel_loop3A_163, %parallel_loop3A_165 : vector<16xi32>
          %parallel_loop3A_167 = vector.bitcast %parallel_loop3A_166 : vector<16xi32> to vector<16xf32>
          %parallel_loop3A_168 = vector.bitcast %parallel_loop3A_163 : vector<16xi32> to vector<16xf32>
          %parallel_loop3A_169 = arith.index_cast %parallel_loop3A_124 : i32 to index
          %parallel_loop3A_170 = arith.constant 32 : index
          %parallel_loop3A_171 = tpu.vector_load %arg8[%parallel_loop3A_169, %parallel_loop3A_170] {strides = array<i32>} : memref<80x64xi32, #tpu.memory_space<vmem>>, vector<16xi32>,
          %parallel_loop3A_172 = arith.constant 16 : i32
          %parallel_loop3A_173 = vector.broadcast %parallel_loop3A_172 : i32 to vector<16xi32>
          %parallel_loop3A_174 = arith.shli %parallel_loop3A_171, %parallel_loop3A_173 : vector<16xi32>
          %parallel_loop3A_175 = vector.bitcast %parallel_loop3A_174 : vector<16xi32> to vector<16xf32>
          %parallel_loop3A_176 = vector.bitcast %parallel_loop3A_171 : vector<16xi32> to vector<16xf32>
          %parallel_loop3A_177 = arith.mulf %parallel_loop3A_167, %parallel_loop3A_175 : vector<16xf32>
          %parallel_loop3A_178 = arith.mulf %parallel_loop3A_168, %parallel_loop3A_176 : vector<16xf32>
          %parallel_loop3A_179 = arith.index_cast %parallel_loop3A_124 : i32 to index
          %parallel_loop3A_180 = arith.constant 48 : index
          %parallel_loop3A_181 = tpu.vector_load %arg7[%parallel_loop3A_179, %parallel_loop3A_180] {strides = array<i32>} : memref<80x64xi32, #tpu.memory_space<vmem>>, vector<16xi32>,
          %parallel_loop3A_182 = arith.constant 16 : i32
          %parallel_loop3A_183 = vector.broadcast %parallel_loop3A_182 : i32 to vector<16xi32>
          %parallel_loop3A_184 = arith.shli %parallel_loop3A_181, %parallel_loop3A_183 : vector<16xi32>
          %parallel_loop3A_185 = vector.bitcast %parallel_loop3A_184 : vector<16xi32> to vector<16xf32>
          %parallel_loop3A_186 = vector.bitcast %parallel_loop3A_181 : vector<16xi32> to vector<16xf32>
          %parallel_loop3A_187 = arith.index_cast %parallel_loop3A_124 : i32 to index
          %parallel_loop3A_188 = arith.constant 48 : index
          %parallel_loop3A_189 = tpu.vector_load %arg8[%parallel_loop3A_187, %parallel_loop3A_188] {strides = array<i32>} : memref<80x64xi32, #tpu.memory_space<vmem>>, vector<16xi32>,
          %parallel_loop3A_190 = arith.constant 16 : i32
          %parallel_loop3A_191 = vector.broadcast %parallel_loop3A_190 : i32 to vector<16xi32>
          %parallel_loop3A_192 = arith.shli %parallel_loop3A_189, %parallel_loop3A_191 : vector<16xi32>
          %parallel_loop3A_193 = vector.bitcast %parallel_loop3A_192 : vector<16xi32> to vector<16xf32>
          %parallel_loop3A_194 = vector.bitcast %parallel_loop3A_189 : vector<16xi32> to vector<16xf32>
          %parallel_loop3A_195 = arith.mulf %parallel_loop3A_185, %parallel_loop3A_193 : vector<16xf32>
          %parallel_loop3A_196 = arith.mulf %parallel_loop3A_186, %parallel_loop3A_194 : vector<16xf32>
          %parallel_loop3A_197 = arith.addf %parallel_loop3A_141, %parallel_loop3A_142 : vector<16xf32>
          %parallel_loop3A_198 = arith.addf %parallel_loop3A_159, %parallel_loop3A_160 : vector<16xf32>
          %parallel_loop3A_199 = arith.addf %parallel_loop3A_197, %parallel_loop3A_198 : vector<16xf32>
          %parallel_loop3A_200 = arith.addf %parallel_loop3A_177, %parallel_loop3A_178 : vector<16xf32>
          %parallel_loop3A_201 = arith.addf %parallel_loop3A_195, %parallel_loop3A_196 : vector<16xf32>
          %parallel_loop3A_202 = arith.addf %parallel_loop3A_200, %parallel_loop3A_201 : vector<16xf32>
          %parallel_loop3A_203 = arith.addf %parallel_loop3A_199, %parallel_loop3A_202 : vector<16xf32>
          %parallel_loop3A_204 = arith.constant 4 : i32
          %parallel_loop3A_205 = arith.muli %parallel_loop3A_204, %parallel_loop3A_118 : i32
          %parallel_loop3A_206 = arith.addi %parallel_loop3A_98, %parallel_loop3A_205 : i32
          %parallel_loop3A_207 = arith.constant 1 : i32
          %parallel_loop3A_208 = arith.addi %parallel_loop3A_206, %parallel_loop3A_207 : i32
          %parallel_loop3A_209 = arith.index_cast %parallel_loop3A_208 : i32 to index
          %parallel_loop3A_210 = arith.constant 0 : index
          %parallel_loop3A_211 = tpu.vector_load %arg7[%parallel_loop3A_209, %parallel_loop3A_210] {strides = array<i32>} : memref<80x64xi32, #tpu.memory_space<vmem>>, vector<16xi32>,
          %parallel_loop3A_212 = arith.constant 16 : i32
          %parallel_loop3A_213 = vector.broadcast %parallel_loop3A_212 : i32 to vector<16xi32>
          %parallel_loop3A_214 = arith.shli %parallel_loop3A_211, %parallel_loop3A_213 : vector<16xi32>
          %parallel_loop3A_215 = vector.bitcast %parallel_loop3A_214 : vector<16xi32> to vector<16xf32>
          %parallel_loop3A_216 = vector.bitcast %parallel_loop3A_211 : vector<16xi32> to vector<16xf32>
          %parallel_loop3A_217 = arith.index_cast %parallel_loop3A_208 : i32 to index
          %parallel_loop3A_218 = arith.constant 0 : index
          %parallel_loop3A_219 = tpu.vector_load %arg8[%parallel_loop3A_217, %parallel_loop3A_218] {strides = array<i32>} : memref<80x64xi32, #tpu.memory_space<vmem>>, vector<16xi32>,
          %parallel_loop3A_220 = arith.constant 16 : i32
          %parallel_loop3A_221 = vector.broadcast %parallel_loop3A_220 : i32 to vector<16xi32>
          %parallel_loop3A_222 = arith.shli %parallel_loop3A_219, %parallel_loop3A_221 : vector<16xi32>
          %parallel_loop3A_223 = vector.bitcast %parallel_loop3A_222 : vector<16xi32> to vector<16xf32>
          %parallel_loop3A_224 = vector.bitcast %parallel_loop3A_219 : vector<16xi32> to vector<16xf32>
          %parallel_loop3A_225 = arith.mulf %parallel_loop3A_215, %parallel_loop3A_223 : vector<16xf32>
          %parallel_loop3A_226 = arith.mulf %parallel_loop3A_216, %parallel_loop3A_224 : vector<16xf32>
          %parallel_loop3A_227 = arith.index_cast %parallel_loop3A_208 : i32 to index
          %parallel_loop3A_228 = arith.constant 16 : index
          %parallel_loop3A_229 = tpu.vector_load %arg7[%parallel_loop3A_227, %parallel_loop3A_228] {strides = array<i32>} : memref<80x64xi32, #tpu.memory_space<vmem>>, vector<16xi32>,
          %parallel_loop3A_230 = arith.constant 16 : i32
          %parallel_loop3A_231 = vector.broadcast %parallel_loop3A_230 : i32 to vector<16xi32>
          %parallel_loop3A_232 = arith.shli %parallel_loop3A_229, %parallel_loop3A_231 : vector<16xi32>
          %parallel_loop3A_233 = vector.bitcast %parallel_loop3A_232 : vector<16xi32> to vector<16xf32>
          %parallel_loop3A_234 = vector.bitcast %parallel_loop3A_229 : vector<16xi32> to vector<16xf32>
          %parallel_loop3A_235 = arith.index_cast %parallel_loop3A_208 : i32 to index
          %parallel_loop3A_236 = arith.constant 16 : index
          %parallel_loop3A_237 = tpu.vector_load %arg8[%parallel_loop3A_235, %parallel_loop3A_236] {strides = array<i32>} : memref<80x64xi32, #tpu.memory_space<vmem>>, vector<16xi32>,
          %parallel_loop3A_238 = arith.constant 16 : i32
          %parallel_loop3A_239 = vector.broadcast %parallel_loop3A_238 : i32 to vector<16xi32>
          %parallel_loop3A_240 = arith.shli %parallel_loop3A_237, %parallel_loop3A_239 : vector<16xi32>
          %parallel_loop3A_241 = vector.bitcast %parallel_loop3A_240 : vector<16xi32> to vector<16xf32>
          %parallel_loop3A_242 = vector.bitcast %parallel_loop3A_237 : vector<16xi32> to vector<16xf32>
          %parallel_loop3A_243 = arith.mulf %parallel_loop3A_233, %parallel_loop3A_241 : vector<16xf32>
          %parallel_loop3A_244 = arith.mulf %parallel_loop3A_234, %parallel_loop3A_242 : vector<16xf32>
          %parallel_loop3A_245 = arith.index_cast %parallel_loop3A_208 : i32 to index
          %parallel_loop3A_246 = arith.constant 32 : index
          %parallel_loop3A_247 = tpu.vector_load %arg7[%parallel_loop3A_245, %parallel_loop3A_246] {strides = array<i32>} : memref<80x64xi32, #tpu.memory_space<vmem>>, vector<16xi32>,
          %parallel_loop3A_248 = arith.constant 16 : i32
          %parallel_loop3A_249 = vector.broadcast %parallel_loop3A_248 : i32 to vector<16xi32>
          %parallel_loop3A_250 = arith.shli %parallel_loop3A_247, %parallel_loop3A_249 : vector<16xi32>
          %parallel_loop3A_251 = vector.bitcast %parallel_loop3A_250 : vector<16xi32> to vector<16xf32>
          %parallel_loop3A_252 = vector.bitcast %parallel_loop3A_247 : vector<16xi32> to vector<16xf32>
          %parallel_loop3A_253 = arith.index_cast %parallel_loop3A_208 : i32 to index
          %parallel_loop3A_254 = arith.constant 32 : index
          %parallel_loop3A_255 = tpu.vector_load %arg8[%parallel_loop3A_253, %parallel_loop3A_254] {strides = array<i32>} : memref<80x64xi32, #tpu.memory_space<vmem>>, vector<16xi32>,
          %parallel_loop3A_256 = arith.constant 16 : i32
          %parallel_loop3A_257 = vector.broadcast %parallel_loop3A_256 : i32 to vector<16xi32>
          %parallel_loop3A_258 = arith.shli %parallel_loop3A_255, %parallel_loop3A_257 : vector<16xi32>
          %parallel_loop3A_259 = vector.bitcast %parallel_loop3A_258 : vector<16xi32> to vector<16xf32>
          %parallel_loop3A_260 = vector.bitcast %parallel_loop3A_255 : vector<16xi32> to vector<16xf32>
          %parallel_loop3A_261 = arith.mulf %parallel_loop3A_251, %parallel_loop3A_259 : vector<16xf32>
          %parallel_loop3A_262 = arith.mulf %parallel_loop3A_252, %parallel_loop3A_260 : vector<16xf32>
          %parallel_loop3A_263 = arith.index_cast %parallel_loop3A_208 : i32 to index
          %parallel_loop3A_264 = arith.constant 48 : index
          %parallel_loop3A_265 = tpu.vector_load %arg7[%parallel_loop3A_263, %parallel_loop3A_264] {strides = array<i32>} : memref<80x64xi32, #tpu.memory_space<vmem>>, vector<16xi32>,
          %parallel_loop3A_266 = arith.constant 16 : i32
          %parallel_loop3A_267 = vector.broadcast %parallel_loop3A_266 : i32 to vector<16xi32>
          %parallel_loop3A_268 = arith.shli %parallel_loop3A_265, %parallel_loop3A_267 : vector<16xi32>
          %parallel_loop3A_269 = vector.bitcast %parallel_loop3A_268 : vector<16xi32> to vector<16xf32>
          %parallel_loop3A_270 = vector.bitcast %parallel_loop3A_265 : vector<16xi32> to vector<16xf32>
          %parallel_loop3A_271 = arith.index_cast %parallel_loop3A_208 : i32 to index
          %parallel_loop3A_272 = arith.constant 48 : index
          %parallel_loop3A_273 = tpu.vector_load %arg8[%parallel_loop3A_271, %parallel_loop3A_272] {strides = array<i32>} : memref<80x64xi32, #tpu.memory_space<vmem>>, vector<16xi32>,
          %parallel_loop3A_274 = arith.constant 16 : i32
          %parallel_loop3A_275 = vector.broadcast %parallel_loop3A_274 : i32 to vector<16xi32>
          %parallel_loop3A_276 = arith.shli %parallel_loop3A_273, %parallel_loop3A_275 : vector<16xi32>
          %parallel_loop3A_277 = vector.bitcast %parallel_loop3A_276 : vector<16xi32> to vector<16xf32>
          %parallel_loop3A_278 = vector.bitcast %parallel_loop3A_273 : vector<16xi32> to vector<16xf32>
          %parallel_loop3A_279 = arith.mulf %parallel_loop3A_269, %parallel_loop3A_277 : vector<16xf32>
          %parallel_loop3A_280 = arith.mulf %parallel_loop3A_270, %parallel_loop3A_278 : vector<16xf32>
          %parallel_loop3A_281 = arith.addf %parallel_loop3A_225, %parallel_loop3A_226 : vector<16xf32>
          %parallel_loop3A_282 = arith.addf %parallel_loop3A_243, %parallel_loop3A_244 : vector<16xf32>
          %parallel_loop3A_283 = arith.addf %parallel_loop3A_281, %parallel_loop3A_282 : vector<16xf32>
          %parallel_loop3A_284 = arith.addf %parallel_loop3A_261, %parallel_loop3A_262 : vector<16xf32>
          %parallel_loop3A_285 = arith.addf %parallel_loop3A_279, %parallel_loop3A_280 : vector<16xf32>
          %parallel_loop3A_286 = arith.addf %parallel_loop3A_284, %parallel_loop3A_285 : vector<16xf32>
          %parallel_loop3A_287 = arith.addf %parallel_loop3A_283, %parallel_loop3A_286 : vector<16xf32>
          %parallel_loop3A_288 = arith.constant 4 : i32
          %parallel_loop3A_289 = arith.muli %parallel_loop3A_288, %parallel_loop3A_118 : i32
          %parallel_loop3A_290 = arith.addi %parallel_loop3A_98, %parallel_loop3A_289 : i32
          %parallel_loop3A_291 = arith.constant 2 : i32
          %parallel_loop3A_292 = arith.addi %parallel_loop3A_290, %parallel_loop3A_291 : i32
          %parallel_loop3A_293 = arith.index_cast %parallel_loop3A_292 : i32 to index
          %parallel_loop3A_294 = arith.constant 0 : index
          %parallel_loop3A_295 = tpu.vector_load %arg7[%parallel_loop3A_293, %parallel_loop3A_294] {strides = array<i32>} : memref<80x64xi32, #tpu.memory_space<vmem>>, vector<16xi32>,
          %parallel_loop3A_296 = arith.constant 16 : i32
          %parallel_loop3A_297 = vector.broadcast %parallel_loop3A_296 : i32 to vector<16xi32>
          %parallel_loop3A_298 = arith.shli %parallel_loop3A_295, %parallel_loop3A_297 : vector<16xi32>
          %parallel_loop3A_299 = vector.bitcast %parallel_loop3A_298 : vector<16xi32> to vector<16xf32>
          %parallel_loop3A_300 = vector.bitcast %parallel_loop3A_295 : vector<16xi32> to vector<16xf32>
          %parallel_loop3A_301 = arith.index_cast %parallel_loop3A_292 : i32 to index
          %parallel_loop3A_302 = arith.constant 0 : index
          %parallel_loop3A_303 = tpu.vector_load %arg8[%parallel_loop3A_301, %parallel_loop3A_302] {strides = array<i32>} : memref<80x64xi32, #tpu.memory_space<vmem>>, vector<16xi32>,
          %parallel_loop3A_304 = arith.constant 16 : i32
          %parallel_loop3A_305 = vector.broadcast %parallel_loop3A_304 : i32 to vector<16xi32>
          %parallel_loop3A_306 = arith.shli %parallel_loop3A_303, %parallel_loop3A_305 : vector<16xi32>
          %parallel_loop3A_307 = vector.bitcast %parallel_loop3A_306 : vector<16xi32> to vector<16xf32>
          %parallel_loop3A_308 = vector.bitcast %parallel_loop3A_303 : vector<16xi32> to vector<16xf32>
          %parallel_loop3A_309 = arith.mulf %parallel_loop3A_299, %parallel_loop3A_307 : vector<16xf32>
          %parallel_loop3A_310 = arith.mulf %parallel_loop3A_300, %parallel_loop3A_308 : vector<16xf32>
          %parallel_loop3A_311 = arith.index_cast %parallel_loop3A_292 : i32 to index
          %parallel_loop3A_312 = arith.constant 16 : index
          %parallel_loop3A_313 = tpu.vector_load %arg7[%parallel_loop3A_311, %parallel_loop3A_312] {strides = array<i32>} : memref<80x64xi32, #tpu.memory_space<vmem>>, vector<16xi32>,
          %parallel_loop3A_314 = arith.constant 16 : i32
          %parallel_loop3A_315 = vector.broadcast %parallel_loop3A_314 : i32 to vector<16xi32>
          %parallel_loop3A_316 = arith.shli %parallel_loop3A_313, %parallel_loop3A_315 : vector<16xi32>
          %parallel_loop3A_317 = vector.bitcast %parallel_loop3A_316 : vector<16xi32> to vector<16xf32>
          %parallel_loop3A_318 = vector.bitcast %parallel_loop3A_313 : vector<16xi32> to vector<16xf32>
          %parallel_loop3A_319 = arith.index_cast %parallel_loop3A_292 : i32 to index
          %parallel_loop3A_320 = arith.constant 16 : index
          %parallel_loop3A_321 = tpu.vector_load %arg8[%parallel_loop3A_319, %parallel_loop3A_320] {strides = array<i32>} : memref<80x64xi32, #tpu.memory_space<vmem>>, vector<16xi32>,
          %parallel_loop3A_322 = arith.constant 16 : i32
          %parallel_loop3A_323 = vector.broadcast %parallel_loop3A_322 : i32 to vector<16xi32>
          %parallel_loop3A_324 = arith.shli %parallel_loop3A_321, %parallel_loop3A_323 : vector<16xi32>
          %parallel_loop3A_325 = vector.bitcast %parallel_loop3A_324 : vector<16xi32> to vector<16xf32>
          %parallel_loop3A_326 = vector.bitcast %parallel_loop3A_321 : vector<16xi32> to vector<16xf32>
          %parallel_loop3A_327 = arith.mulf %parallel_loop3A_317, %parallel_loop3A_325 : vector<16xf32>
          %parallel_loop3A_328 = arith.mulf %parallel_loop3A_318, %parallel_loop3A_326 : vector<16xf32>
          %parallel_loop3A_329 = arith.index_cast %parallel_loop3A_292 : i32 to index
          %parallel_loop3A_330 = arith.constant 32 : index
          %parallel_loop3A_331 = tpu.vector_load %arg7[%parallel_loop3A_329, %parallel_loop3A_330] {strides = array<i32>} : memref<80x64xi32, #tpu.memory_space<vmem>>, vector<16xi32>,
          %parallel_loop3A_332 = arith.constant 16 : i32
          %parallel_loop3A_333 = vector.broadcast %parallel_loop3A_332 : i32 to vector<16xi32>
          %parallel_loop3A_334 = arith.shli %parallel_loop3A_331, %parallel_loop3A_333 : vector<16xi32>
          %parallel_loop3A_335 = vector.bitcast %parallel_loop3A_334 : vector<16xi32> to vector<16xf32>
          %parallel_loop3A_336 = vector.bitcast %parallel_loop3A_331 : vector<16xi32> to vector<16xf32>
          %parallel_loop3A_337 = arith.index_cast %parallel_loop3A_292 : i32 to index
          %parallel_loop3A_338 = arith.constant 32 : index
          %parallel_loop3A_339 = tpu.vector_load %arg8[%parallel_loop3A_337, %parallel_loop3A_338] {strides = array<i32>} : memref<80x64xi32, #tpu.memory_space<vmem>>, vector<16xi32>,
          %parallel_loop3A_340 = arith.constant 16 : i32
          %parallel_loop3A_341 = vector.broadcast %parallel_loop3A_340 : i32 to vector<16xi32>
          %parallel_loop3A_342 = arith.shli %parallel_loop3A_339, %parallel_loop3A_341 : vector<16xi32>
          %parallel_loop3A_343 = vector.bitcast %parallel_loop3A_342 : vector<16xi32> to vector<16xf32>
          %parallel_loop3A_344 = vector.bitcast %parallel_loop3A_339 : vector<16xi32> to vector<16xf32>
          %parallel_loop3A_345 = arith.mulf %parallel_loop3A_335, %parallel_loop3A_343 : vector<16xf32>
          %parallel_loop3A_346 = arith.mulf %parallel_loop3A_336, %parallel_loop3A_344 : vector<16xf32>
          %parallel_loop3A_347 = arith.index_cast %parallel_loop3A_292 : i32 to index
          %parallel_loop3A_348 = arith.constant 48 : index
          %parallel_loop3A_349 = tpu.vector_load %arg7[%parallel_loop3A_347, %parallel_loop3A_348] {strides = array<i32>} : memref<80x64xi32, #tpu.memory_space<vmem>>, vector<16xi32>,
          %parallel_loop3A_350 = arith.constant 16 : i32
          %parallel_loop3A_351 = vector.broadcast %parallel_loop3A_350 : i32 to vector<16xi32>
          %parallel_loop3A_352 = arith.shli %parallel_loop3A_349, %parallel_loop3A_351 : vector<16xi32>
          %parallel_loop3A_353 = vector.bitcast %parallel_loop3A_352 : vector<16xi32> to vector<16xf32>
          %parallel_loop3A_354 = vector.bitcast %parallel_loop3A_349 : vector<16xi32> to vector<16xf32>
          %parallel_loop3A_355 = arith.index_cast %parallel_loop3A_292 : i32 to index
          %parallel_loop3A_356 = arith.constant 48 : index
          %parallel_loop3A_357 = tpu.vector_load %arg8[%parallel_loop3A_355, %parallel_loop3A_356] {strides = array<i32>} : memref<80x64xi32, #tpu.memory_space<vmem>>, vector<16xi32>,
          %parallel_loop3A_358 = arith.constant 16 : i32
          %parallel_loop3A_359 = vector.broadcast %parallel_loop3A_358 : i32 to vector<16xi32>
          %parallel_loop3A_360 = arith.shli %parallel_loop3A_357, %parallel_loop3A_359 : vector<16xi32>
          %parallel_loop3A_361 = vector.bitcast %parallel_loop3A_360 : vector<16xi32> to vector<16xf32>
          %parallel_loop3A_362 = vector.bitcast %parallel_loop3A_357 : vector<16xi32> to vector<16xf32>
          %parallel_loop3A_363 = arith.mulf %parallel_loop3A_353, %parallel_loop3A_361 : vector<16xf32>
          %parallel_loop3A_364 = arith.mulf %parallel_loop3A_354, %parallel_loop3A_362 : vector<16xf32>
          %parallel_loop3A_365 = arith.addf %parallel_loop3A_309, %parallel_loop3A_310 : vector<16xf32>
          %parallel_loop3A_366 = arith.addf %parallel_loop3A_327, %parallel_loop3A_328 : vector<16xf32>
          %parallel_loop3A_367 = arith.addf %parallel_loop3A_365, %parallel_loop3A_366 : vector<16xf32>
          %parallel_loop3A_368 = arith.addf %parallel_loop3A_345, %parallel_loop3A_346 : vector<16xf32>
          %parallel_loop3A_369 = arith.addf %parallel_loop3A_363, %parallel_loop3A_364 : vector<16xf32>
          %parallel_loop3A_370 = arith.addf %parallel_loop3A_368, %parallel_loop3A_369 : vector<16xf32>
          %parallel_loop3A_371 = arith.addf %parallel_loop3A_367, %parallel_loop3A_370 : vector<16xf32>
          %parallel_loop3A_372 = arith.constant 4 : i32
          %parallel_loop3A_373 = arith.muli %parallel_loop3A_372, %parallel_loop3A_118 : i32
          %parallel_loop3A_374 = arith.addi %parallel_loop3A_98, %parallel_loop3A_373 : i32
          %parallel_loop3A_375 = arith.constant 3 : i32
          %parallel_loop3A_376 = arith.addi %parallel_loop3A_374, %parallel_loop3A_375 : i32
          %parallel_loop3A_377 = arith.index_cast %parallel_loop3A_376 : i32 to index
          %parallel_loop3A_378 = arith.constant 0 : index
          %parallel_loop3A_379 = tpu.vector_load %arg7[%parallel_loop3A_377, %parallel_loop3A_378] {strides = array<i32>} : memref<80x64xi32, #tpu.memory_space<vmem>>, vector<16xi32>,
          %parallel_loop3A_380 = arith.constant 16 : i32
          %parallel_loop3A_381 = vector.broadcast %parallel_loop3A_380 : i32 to vector<16xi32>
          %parallel_loop3A_382 = arith.shli %parallel_loop3A_379, %parallel_loop3A_381 : vector<16xi32>
          %parallel_loop3A_383 = vector.bitcast %parallel_loop3A_382 : vector<16xi32> to vector<16xf32>
          %parallel_loop3A_384 = vector.bitcast %parallel_loop3A_379 : vector<16xi32> to vector<16xf32>
          %parallel_loop3A_385 = arith.index_cast %parallel_loop3A_376 : i32 to index
          %parallel_loop3A_386 = arith.constant 0 : index
          %parallel_loop3A_387 = tpu.vector_load %arg8[%parallel_loop3A_385, %parallel_loop3A_386] {strides = array<i32>} : memref<80x64xi32, #tpu.memory_space<vmem>>, vector<16xi32>,
          %parallel_loop3A_388 = arith.constant 16 : i32
          %parallel_loop3A_389 = vector.broadcast %parallel_loop3A_388 : i32 to vector<16xi32>
          %parallel_loop3A_390 = arith.shli %parallel_loop3A_387, %parallel_loop3A_389 : vector<16xi32>
          %parallel_loop3A_391 = vector.bitcast %parallel_loop3A_390 : vector<16xi32> to vector<16xf32>
          %parallel_loop3A_392 = vector.bitcast %parallel_loop3A_387 : vector<16xi32> to vector<16xf32>
          %parallel_loop3A_393 = arith.mulf %parallel_loop3A_383, %parallel_loop3A_391 : vector<16xf32>
          %parallel_loop3A_394 = arith.mulf %parallel_loop3A_384, %parallel_loop3A_392 : vector<16xf32>
          %parallel_loop3A_395 = arith.index_cast %parallel_loop3A_376 : i32 to index
          %parallel_loop3A_396 = arith.constant 16 : index
          %parallel_loop3A_397 = tpu.vector_load %arg7[%parallel_loop3A_395, %parallel_loop3A_396] {strides = array<i32>} : memref<80x64xi32, #tpu.memory_space<vmem>>, vector<16xi32>,
          %parallel_loop3A_398 = arith.constant 16 : i32
          %parallel_loop3A_399 = vector.broadcast %parallel_loop3A_398 : i32 to vector<16xi32>
          %parallel_loop3A_400 = arith.shli %parallel_loop3A_397, %parallel_loop3A_399 : vector<16xi32>
          %parallel_loop3A_401 = vector.bitcast %parallel_loop3A_400 : vector<16xi32> to vector<16xf32>
          %parallel_loop3A_402 = vector.bitcast %parallel_loop3A_397 : vector<16xi32> to vector<16xf32>
          %parallel_loop3A_403 = arith.index_cast %parallel_loop3A_376 : i32 to index
          %parallel_loop3A_404 = arith.constant 16 : index
          %parallel_loop3A_405 = tpu.vector_load %arg8[%parallel_loop3A_403, %parallel_loop3A_404] {strides = array<i32>} : memref<80x64xi32, #tpu.memory_space<vmem>>, vector<16xi32>,
          %parallel_loop3A_406 = arith.constant 16 : i32
          %parallel_loop3A_407 = vector.broadcast %parallel_loop3A_406 : i32 to vector<16xi32>
          %parallel_loop3A_408 = arith.shli %parallel_loop3A_405, %parallel_loop3A_407 : vector<16xi32>
          %parallel_loop3A_409 = vector.bitcast %parallel_loop3A_408 : vector<16xi32> to vector<16xf32>
          %parallel_loop3A_410 = vector.bitcast %parallel_loop3A_405 : vector<16xi32> to vector<16xf32>
          %parallel_loop3A_411 = arith.mulf %parallel_loop3A_401, %parallel_loop3A_409 : vector<16xf32>
          %parallel_loop3A_412 = arith.mulf %parallel_loop3A_402, %parallel_loop3A_410 : vector<16xf32>
          %parallel_loop3A_413 = arith.index_cast %parallel_loop3A_376 : i32 to index
          %parallel_loop3A_414 = arith.constant 32 : index
          %parallel_loop3A_415 = tpu.vector_load %arg7[%parallel_loop3A_413, %parallel_loop3A_414] {strides = array<i32>} : memref<80x64xi32, #tpu.memory_space<vmem>>, vector<16xi32>,
          %parallel_loop3A_416 = arith.constant 16 : i32
          %parallel_loop3A_417 = vector.broadcast %parallel_loop3A_416 : i32 to vector<16xi32>
          %parallel_loop3A_418 = arith.shli %parallel_loop3A_415, %parallel_loop3A_417 : vector<16xi32>
          %parallel_loop3A_419 = vector.bitcast %parallel_loop3A_418 : vector<16xi32> to vector<16xf32>
          %parallel_loop3A_420 = vector.bitcast %parallel_loop3A_415 : vector<16xi32> to vector<16xf32>
          %parallel_loop3A_421 = arith.index_cast %parallel_loop3A_376 : i32 to index
          %parallel_loop3A_422 = arith.constant 32 : index
          %parallel_loop3A_423 = tpu.vector_load %arg8[%parallel_loop3A_421, %parallel_loop3A_422] {strides = array<i32>} : memref<80x64xi32, #tpu.memory_space<vmem>>, vector<16xi32>,
          %parallel_loop3A_424 = arith.constant 16 : i32
          %parallel_loop3A_425 = vector.broadcast %parallel_loop3A_424 : i32 to vector<16xi32>
          %parallel_loop3A_426 = arith.shli %parallel_loop3A_423, %parallel_loop3A_425 : vector<16xi32>
          %parallel_loop3A_427 = vector.bitcast %parallel_loop3A_426 : vector<16xi32> to vector<16xf32>
          %parallel_loop3A_428 = vector.bitcast %parallel_loop3A_423 : vector<16xi32> to vector<16xf32>
          %parallel_loop3A_429 = arith.mulf %parallel_loop3A_419, %parallel_loop3A_427 : vector<16xf32>
          %parallel_loop3A_430 = arith.mulf %parallel_loop3A_420, %parallel_loop3A_428 : vector<16xf32>
          %parallel_loop3A_431 = arith.index_cast %parallel_loop3A_376 : i32 to index
          %parallel_loop3A_432 = arith.constant 48 : index
          %parallel_loop3A_433 = tpu.vector_load %arg7[%parallel_loop3A_431, %parallel_loop3A_432] {strides = array<i32>} : memref<80x64xi32, #tpu.memory_space<vmem>>, vector<16xi32>,
          %parallel_loop3A_434 = arith.constant 16 : i32
          %parallel_loop3A_435 = vector.broadcast %parallel_loop3A_434 : i32 to vector<16xi32>
          %parallel_loop3A_436 = arith.shli %parallel_loop3A_433, %parallel_loop3A_435 : vector<16xi32>
          %parallel_loop3A_437 = vector.bitcast %parallel_loop3A_436 : vector<16xi32> to vector<16xf32>
          %parallel_loop3A_438 = vector.bitcast %parallel_loop3A_433 : vector<16xi32> to vector<16xf32>
          %parallel_loop3A_439 = arith.index_cast %parallel_loop3A_376 : i32 to index
          %parallel_loop3A_440 = arith.constant 48 : index
          %parallel_loop3A_441 = tpu.vector_load %arg8[%parallel_loop3A_439, %parallel_loop3A_440] {strides = array<i32>} : memref<80x64xi32, #tpu.memory_space<vmem>>, vector<16xi32>,
          %parallel_loop3A_442 = arith.constant 16 : i32
          %parallel_loop3A_443 = vector.broadcast %parallel_loop3A_442 : i32 to vector<16xi32>
          %parallel_loop3A_444 = arith.shli %parallel_loop3A_441, %parallel_loop3A_443 : vector<16xi32>
          %parallel_loop3A_445 = vector.bitcast %parallel_loop3A_444 : vector<16xi32> to vector<16xf32>
          %parallel_loop3A_446 = vector.bitcast %parallel_loop3A_441 : vector<16xi32> to vector<16xf32>
          %parallel_loop3A_447 = arith.mulf %parallel_loop3A_437, %parallel_loop3A_445 : vector<16xf32>
          %parallel_loop3A_448 = arith.mulf %parallel_loop3A_438, %parallel_loop3A_446 : vector<16xf32>
          %parallel_loop3A_449 = arith.addf %parallel_loop3A_393, %parallel_loop3A_394 : vector<16xf32>
          %parallel_loop3A_450 = arith.addf %parallel_loop3A_411, %parallel_loop3A_412 : vector<16xf32>
          %parallel_loop3A_451 = arith.addf %parallel_loop3A_449, %parallel_loop3A_450 : vector<16xf32>
          %parallel_loop3A_452 = arith.addf %parallel_loop3A_429, %parallel_loop3A_430 : vector<16xf32>
          %parallel_loop3A_453 = arith.addf %parallel_loop3A_447, %parallel_loop3A_448 : vector<16xf32>
          %parallel_loop3A_454 = arith.addf %parallel_loop3A_452, %parallel_loop3A_453 : vector<16xf32>
          %parallel_loop3A_455 = arith.addf %parallel_loop3A_451, %parallel_loop3A_454 : vector<16xf32>
          %parallel_loop3A_456 = arith.constant 8 : i32
          %parallel_loop3A_457 = vector.broadcast %parallel_loop3A_456 : i32 to vector<16xi32>
          %parallel_loop3A_458 = arith.xori %iota3A, %parallel_loop3A_457 : vector<16xi32>
          %parallel_loop3A_459 = vector.shape_cast %parallel_loop3A_458 : vector<16xi32> to vector<16x1xi32>
          %parallel_loop3A_460 = vector.shape_cast %parallel_loop3A_459 : vector<16x1xi32> to vector<16xi32>
          %parallel_loop3A_461 = tpu.dynamic_gather %parallel_loop3A_203[%parallel_loop3A_460] in [0] : vector<16xf32>, vector<16xi32> -> vector<16xf32>
          %parallel_loop3A_462 = arith.addf %parallel_loop3A_203, %parallel_loop3A_461 : vector<16xf32>
          %parallel_loop3A_463 = arith.constant 8 : i32
          %parallel_loop3A_464 = vector.broadcast %parallel_loop3A_463 : i32 to vector<16xi32>
          %parallel_loop3A_465 = arith.xori %iota3A, %parallel_loop3A_464 : vector<16xi32>
          %parallel_loop3A_466 = vector.shape_cast %parallel_loop3A_465 : vector<16xi32> to vector<16x1xi32>
          %parallel_loop3A_467 = vector.shape_cast %parallel_loop3A_466 : vector<16x1xi32> to vector<16xi32>
          %parallel_loop3A_468 = tpu.dynamic_gather %parallel_loop3A_287[%parallel_loop3A_467] in [0] : vector<16xf32>, vector<16xi32> -> vector<16xf32>
          %parallel_loop3A_469 = arith.addf %parallel_loop3A_287, %parallel_loop3A_468 : vector<16xf32>
          %parallel_loop3A_470 = arith.constant 8 : i32
          %parallel_loop3A_471 = vector.broadcast %parallel_loop3A_470 : i32 to vector<16xi32>
          %parallel_loop3A_472 = arith.xori %iota3A, %parallel_loop3A_471 : vector<16xi32>
          %parallel_loop3A_473 = vector.shape_cast %parallel_loop3A_472 : vector<16xi32> to vector<16x1xi32>
          %parallel_loop3A_474 = vector.shape_cast %parallel_loop3A_473 : vector<16x1xi32> to vector<16xi32>
          %parallel_loop3A_475 = tpu.dynamic_gather %parallel_loop3A_371[%parallel_loop3A_474] in [0] : vector<16xf32>, vector<16xi32> -> vector<16xf32>
          %parallel_loop3A_476 = arith.addf %parallel_loop3A_371, %parallel_loop3A_475 : vector<16xf32>
          %parallel_loop3A_477 = arith.constant 8 : i32
          %parallel_loop3A_478 = vector.broadcast %parallel_loop3A_477 : i32 to vector<16xi32>
          %parallel_loop3A_479 = arith.xori %iota3A, %parallel_loop3A_478 : vector<16xi32>
          %parallel_loop3A_480 = vector.shape_cast %parallel_loop3A_479 : vector<16xi32> to vector<16x1xi32>
          %parallel_loop3A_481 = vector.shape_cast %parallel_loop3A_480 : vector<16x1xi32> to vector<16xi32>
          %parallel_loop3A_482 = tpu.dynamic_gather %parallel_loop3A_455[%parallel_loop3A_481] in [0] : vector<16xf32>, vector<16xi32> -> vector<16xf32>
          %parallel_loop3A_483 = arith.addf %parallel_loop3A_455, %parallel_loop3A_482 : vector<16xf32>
          %parallel_loop3A_484 = arith.constant 8 : i32
          %parallel_loop3A_485 = vector.broadcast %parallel_loop3A_484 : i32 to vector<16xi32>
          %parallel_loop3A_486 = arith.cmpi slt, %iota3A, %parallel_loop3A_485 : vector<16xi32>
          %parallel_loop3A_487 = arith.select %parallel_loop3A_486, %parallel_loop3A_462, %parallel_loop3A_469 : vector<16xi1>, vector<16xf32>
          %parallel_loop3A_488 = arith.constant 8 : i32
          %parallel_loop3A_489 = vector.broadcast %parallel_loop3A_488 : i32 to vector<16xi32>
          %parallel_loop3A_490 = arith.cmpi slt, %iota3A, %parallel_loop3A_489 : vector<16xi32>
          %parallel_loop3A_491 = arith.select %parallel_loop3A_490, %parallel_loop3A_476, %parallel_loop3A_483 : vector<16xi1>, vector<16xf32>
          %parallel_loop3A_492 = arith.constant 4 : i32
          %parallel_loop3A_493 = vector.broadcast %parallel_loop3A_492 : i32 to vector<16xi32>
          %parallel_loop3A_494 = arith.xori %iota3A, %parallel_loop3A_493 : vector<16xi32>
          %parallel_loop3A_495 = vector.shape_cast %parallel_loop3A_494 : vector<16xi32> to vector<16x1xi32>
          %parallel_loop3A_496 = vector.shape_cast %parallel_loop3A_495 : vector<16x1xi32> to vector<16xi32>
          %parallel_loop3A_497 = tpu.dynamic_gather %parallel_loop3A_487[%parallel_loop3A_496] in [0] : vector<16xf32>, vector<16xi32> -> vector<16xf32>
          %parallel_loop3A_498 = arith.addf %parallel_loop3A_487, %parallel_loop3A_497 : vector<16xf32>
          %parallel_loop3A_499 = arith.constant 4 : i32
          %parallel_loop3A_500 = vector.broadcast %parallel_loop3A_499 : i32 to vector<16xi32>
          %parallel_loop3A_501 = arith.xori %iota3A, %parallel_loop3A_500 : vector<16xi32>
          %parallel_loop3A_502 = vector.shape_cast %parallel_loop3A_501 : vector<16xi32> to vector<16x1xi32>
          %parallel_loop3A_503 = vector.shape_cast %parallel_loop3A_502 : vector<16x1xi32> to vector<16xi32>
          %parallel_loop3A_504 = tpu.dynamic_gather %parallel_loop3A_491[%parallel_loop3A_503] in [0] : vector<16xf32>, vector<16xi32> -> vector<16xf32>
          %parallel_loop3A_505 = arith.addf %parallel_loop3A_491, %parallel_loop3A_504 : vector<16xf32>
          %parallel_loop3A_506 = arith.constant 4 : i32
          %parallel_loop3A_507 = vector.broadcast %parallel_loop3A_506 : i32 to vector<16xi32>
          %parallel_loop3A_508 = arith.andi %iota3A, %parallel_loop3A_507 : vector<16xi32>
          %parallel_loop3A_509 = arith.constant 0 : i32
          %parallel_loop3A_510 = vector.broadcast %parallel_loop3A_509 : i32 to vector<16xi32>
          %parallel_loop3A_511 = arith.cmpi eq, %parallel_loop3A_508, %parallel_loop3A_510 : vector<16xi32>
          %parallel_loop3A_512 = arith.select %parallel_loop3A_511, %parallel_loop3A_498, %parallel_loop3A_505 : vector<16xi1>, vector<16xf32>
          %parallel_loop3A_513 = arith.constant 2 : i32
          %parallel_loop3A_514 = vector.broadcast %parallel_loop3A_513 : i32 to vector<16xi32>
          %parallel_loop3A_515 = arith.xori %iota3A, %parallel_loop3A_514 : vector<16xi32>
          %parallel_loop3A_516 = vector.shape_cast %parallel_loop3A_515 : vector<16xi32> to vector<16x1xi32>
          %parallel_loop3A_517 = vector.shape_cast %parallel_loop3A_516 : vector<16x1xi32> to vector<16xi32>
          %parallel_loop3A_518 = tpu.dynamic_gather %parallel_loop3A_512[%parallel_loop3A_517] in [0] : vector<16xf32>, vector<16xi32> -> vector<16xf32>
          %parallel_loop3A_519 = arith.addf %parallel_loop3A_512, %parallel_loop3A_518 : vector<16xf32>
          %parallel_loop3A_520 = arith.constant 1 : i32
          %parallel_loop3A_521 = vector.broadcast %parallel_loop3A_520 : i32 to vector<16xi32>
          %parallel_loop3A_522 = arith.xori %iota3A, %parallel_loop3A_521 : vector<16xi32>
          %parallel_loop3A_523 = vector.shape_cast %parallel_loop3A_522 : vector<16xi32> to vector<16x1xi32>
          %parallel_loop3A_524 = vector.shape_cast %parallel_loop3A_523 : vector<16x1xi32> to vector<16xi32>
          %parallel_loop3A_525 = tpu.dynamic_gather %parallel_loop3A_519[%parallel_loop3A_524] in [0] : vector<16xf32>, vector<16xi32> -> vector<16xf32>
          %parallel_loop3A_526 = arith.addf %parallel_loop3A_519, %parallel_loop3A_525 : vector<16xf32>
          %parallel_loop3A_527 = arith.constant 3 : i32
          %parallel_loop3A_528 = vector.broadcast %parallel_loop3A_527 : i32 to vector<16xi32>
          %parallel_loop3A_529 = arith.andi %iota3A, %parallel_loop3A_528 : vector<16xi32>
          %parallel_loop3A_530 = arith.constant 1 : i32
          %parallel_loop3A_531 = vector.broadcast %parallel_loop3A_530 : i32 to vector<16xi32>
          %parallel_loop3A_532 = arith.andi %parallel_loop3A_529, %parallel_loop3A_531 : vector<16xi32>
          %parallel_loop3A_533 = arith.constant 3 : i32
          %parallel_loop3A_534 = vector.broadcast %parallel_loop3A_533 : i32 to vector<16xi32>
          %parallel_loop3A_535 = arith.shli %parallel_loop3A_532, %parallel_loop3A_534 : vector<16xi32>
          %parallel_loop3A_536 = arith.constant 2 : i32
          %parallel_loop3A_537 = vector.broadcast %parallel_loop3A_536 : i32 to vector<16xi32>
          %parallel_loop3A_538 = arith.andi %parallel_loop3A_529, %parallel_loop3A_537 : vector<16xi32>
          %parallel_loop3A_539 = arith.constant 1 : i32
          %parallel_loop3A_540 = vector.broadcast %parallel_loop3A_539 : i32 to vector<16xi32>
          %parallel_loop3A_541 = arith.shli %parallel_loop3A_538, %parallel_loop3A_540 : vector<16xi32>
          %parallel_loop3A_542 = arith.ori %parallel_loop3A_535, %parallel_loop3A_541 : vector<16xi32>
          %parallel_loop3A_543 = vector.shape_cast %parallel_loop3A_542 : vector<16xi32> to vector<16x1xi32>
          %parallel_loop3A_544 = vector.shape_cast %parallel_loop3A_543 : vector<16x1xi32> to vector<16xi32>
          %parallel_loop3A_545 = tpu.dynamic_gather %parallel_loop3A_526[%parallel_loop3A_544] in [0] : vector<16xf32>, vector<16xi32> -> vector<16xf32>
          %parallel_loop3A_546 = arith.constant 2 : i32
          %parallel_loop3A_547 = vector.broadcast %parallel_loop3A_546 : i32 to vector<16xi32>
          %parallel_loop3A_548 = arith.shrsi %iota3A, %parallel_loop3A_547 : vector<16xi32>
          %parallel_loop3A_549 = vector.broadcast %parallel_loop3A_118 : i32 to vector<16xi32>
          %parallel_loop3A_550 = arith.cmpi eq, %parallel_loop3A_548, %parallel_loop3A_549 : vector<16xi32>
          %parallel_loop3A_551 = arith.select %parallel_loop3A_550, %parallel_loop3A_545, %parallel_loop3A_119 : vector<16xi1>, vector<16xf32>
          scf.yield %parallel_loop3A_551 : vector<16xf32>
        } {sc.loop_unroll_factor = 1 : i64, sc.parallel_access}
        %parallel_loop3A_105 = arith.constant 0.000000e+00 : f32
        %parallel_loop3A_106 = vector.broadcast %parallel_loop3A_105 : f32 to vector<16xf32>
        %parallel_loop3A_107 = arith.subf %parallel_loop3A_106, %parallel_loop3A_104 : vector<16xf32>
        %parallel_loop3A_108 = math.exp %parallel_loop3A_107 : vector<16xf32>
        %parallel_loop3A_109 = arith.constant 1.000000e+00 : f32
        %parallel_loop3A_110 = vector.broadcast %parallel_loop3A_109 : f32 to vector<16xf32>
        %parallel_loop3A_111 = arith.addf %parallel_loop3A_110, %parallel_loop3A_108 : vector<16xf32>
        %parallel_loop3A_112 = arith.constant 1.000000e+00 : f32
        %parallel_loop3A_113 = vector.broadcast %parallel_loop3A_112 : f32 to vector<16xf32>
        %parallel_loop3A_114 = arith.divf %parallel_loop3A_113, %parallel_loop3A_111 : vector<16xf32>
        %parallel_loop3A_115 = arith.addi %mul3A_61, %parallel_loop3A_98 : i32
        %parallel_loop3A_116 = arith.index_cast %parallel_loop3A_115 : i32 to index
        %parallel_loop3A_117 = tpu.vector_load %arg11[%parallel_loop3A_116] {strides = array<i32>} : memref<10000xf32, #tpu.memory_space<vmem>>, vector<16xf32>,
        tpu.vector_store %arg11[%parallel_loop3A_116], %parallel_loop3A_114 {strides = array<i32>} : memref<10000xf32, #tpu.memory_space<vmem>>, vector<16xf32>,
      } {sc.loop_unroll_factor = 1 : i64, sc.parallel_access}
      %add3A_65 = arith.constant 2 : i32
      %add3A_66 = arith.addi %mul3A_35, %add3A_65 : i32
      %mul3A_67 = arith.constant 80 : i32
      %mul3A_68 = arith.muli %add3A_66, %mul3A_67 : i32
      %dma_start3A_69 = tpu.memref_slice %arg5[%mul3A_68] : memref<10000xi32, #tpu.memory_space<vmem>> -> memref<80xi32, #tpu.memory_space<vmem>>
      %dma_start3A_70 = arith.constant 0 : i32
      %dma_start3A_71 = arith.constant 0 : i32
      %dma_start3A_72 = tpu.memref_slice %arg12[%dma_start3A_70, %dma_start3A_71] : memref<10000x64xi32, #tpu.memory_space<vmem_shared>> -> memref<10000x64xi32, #tpu.memory_space<vmem_shared>>
      tpu.enqueue_indirect_dma source(%dma_start3A_72 : memref<10000x64xi32, #tpu.memory_space<vmem_shared>>) target(%arg7 : memref<80x64xi32, #tpu.memory_space<vmem>>) offsets(%dma_start3A_69 : memref<80xi32, #tpu.memory_space<vmem>>) semaphore(%arg13 : memref<!tpu.dma_semaphore, #tpu.memory_space<semaphore_mem>>)
      %dma_start3A_73 = tpu.memref_slice %arg6[%mul3A_68] : memref<10000xi32, #tpu.memory_space<vmem>> -> memref<80xi32, #tpu.memory_space<vmem>>
      %dma_start3A_74 = arith.constant 0 : i32
      %dma_start3A_75 = arith.constant 0 : i32
      %dma_start3A_76 = tpu.memref_slice %arg12[%dma_start3A_74, %dma_start3A_75] : memref<10000x64xi32, #tpu.memory_space<vmem_shared>> -> memref<10000x64xi32, #tpu.memory_space<vmem_shared>>
      tpu.enqueue_indirect_dma source(%dma_start3A_76 : memref<10000x64xi32, #tpu.memory_space<vmem_shared>>) target(%arg8 : memref<80x64xi32, #tpu.memory_space<vmem>>) offsets(%dma_start3A_73 : memref<80xi32, #tpu.memory_space<vmem>>) semaphore(%arg13 : memref<!tpu.dma_semaphore, #tpu.memory_space<semaphore_mem>>)
      %dma_wait3A_77 = arith.constant 0 : i32
      %dma_wait3A_78 = arith.constant 0 : i32
      %dma_wait3A_79 = tpu.memref_slice %arg2[%dma_wait3A_77, %dma_wait3A_78] : memref<10000x64xi32, #tpu.memory_space<hbm>> -> memref<80x64xi32, #tpu.memory_space<hbm>>
      %dma_wait3A_80 = arith.constant 0 : i32
      %dma_wait3A_81 = arith.constant 0 : i32
      %dma_wait3A_82 = tpu.memref_slice %arg2[%dma_wait3A_80, %dma_wait3A_81] : memref<10000x64xi32, #tpu.memory_space<hbm>> -> memref<80x64xi32, #tpu.memory_space<hbm>>
      tpu.wait_dma2 semaphore(%arg14 : memref<!tpu.dma_semaphore, #tpu.memory_space<semaphore_mem>>) src(%dma_wait3A_82 : memref<80x64xi32, #tpu.memory_space<hbm>>) dst(%arg9 : memref<80x64xi32, #tpu.memory_space<vmem>>)
      %dma_wait3A_83 = arith.constant 0 : i32
      %dma_wait3A_84 = arith.constant 0 : i32
      %dma_wait3A_85 = tpu.memref_slice %arg2[%dma_wait3A_83, %dma_wait3A_84] : memref<10000x64xi32, #tpu.memory_space<hbm>> -> memref<80x64xi32, #tpu.memory_space<hbm>>
      %dma_wait3A_86 = arith.constant 0 : i32
      %dma_wait3A_87 = arith.constant 0 : i32
      %dma_wait3A_88 = tpu.memref_slice %arg2[%dma_wait3A_86, %dma_wait3A_87] : memref<10000x64xi32, #tpu.memory_space<hbm>> -> memref<80x64xi32, #tpu.memory_space<hbm>>
      tpu.wait_dma2 semaphore(%arg14 : memref<!tpu.dma_semaphore, #tpu.memory_space<semaphore_mem>>) src(%dma_wait3A_88 : memref<80x64xi32, #tpu.memory_space<hbm>>) dst(%arg10 : memref<80x64xi32, #tpu.memory_space<vmem>>)
      %add3A_89 = arith.constant 1 : i32
      %add3A_90 = arith.addi %mul3A_35, %add3A_89 : i32
      %mul3A_91 = arith.constant 80 : i32
      %mul3A_92 = arith.muli %add3A_90, %mul3A_91 : i32
      %parallel_loop3A_93 = arith.constant 0 : i32
      %parallel_loop3A_94 = arith.constant 5 : i32
      %parallel_loop3A_95 = arith.constant 1 : i32
      scf.for %parallel_loop3A_96 = %parallel_loop3A_93 to %parallel_loop3A_94 step %parallel_loop3A_95  : i32 {
        %parallel_loop3A_97 = arith.constant 16 : i32
        %parallel_loop3A_98 = arith.muli %parallel_loop3A_96, %parallel_loop3A_97 : i32
        %parallel_loop3A_99 = arith.constant 0.000000e+00 : f32
        %parallel_loop3A_100 = vector.broadcast %parallel_loop3A_99 : f32 to vector<16xf32>
        %parallel_loop3A_101 = arith.constant 0 : i32
        %parallel_loop3A_102 = arith.constant 4 : i32
        %parallel_loop3A_103 = arith.constant 1 : i32
        %parallel_loop3A_104 = scf.for %parallel_loop3A_118 = %parallel_loop3A_101 to %parallel_loop3A_102 step %parallel_loop3A_103 iter_args(%parallel_loop3A_119 = %parallel_loop3A_100) -> (vector<16xf32>)  : i32 {
          %parallel_loop3A_120 = arith.constant 4 : i32
          %parallel_loop3A_121 = arith.muli %parallel_loop3A_120, %parallel_loop3A_118 : i32
          %parallel_loop3A_122 = arith.addi %parallel_loop3A_98, %parallel_loop3A_121 : i32
          %parallel_loop3A_123 = arith.constant 0 : i32
          %parallel_loop3A_124 = arith.addi %parallel_loop3A_122, %parallel_loop3A_123 : i32
          %parallel_loop3A_125 = arith.index_cast %parallel_loop3A_124 : i32 to index
          %parallel_loop3A_126 = arith.constant 0 : index
          %parallel_loop3A_127 = tpu.vector_load %arg9[%parallel_loop3A_125, %parallel_loop3A_126] {strides = array<i32>} : memref<80x64xi32, #tpu.memory_space<vmem>>, vector<16xi32>,
          %parallel_loop3A_128 = arith.constant 16 : i32
          %parallel_loop3A_129 = vector.broadcast %parallel_loop3A_128 : i32 to vector<16xi32>
          %parallel_loop3A_130 = arith.shli %parallel_loop3A_127, %parallel_loop3A_129 : vector<16xi32>
          %parallel_loop3A_131 = vector.bitcast %parallel_loop3A_130 : vector<16xi32> to vector<16xf32>
          %parallel_loop3A_132 = vector.bitcast %parallel_loop3A_127 : vector<16xi32> to vector<16xf32>
          %parallel_loop3A_133 = arith.index_cast %parallel_loop3A_124 : i32 to index
          %parallel_loop3A_134 = arith.constant 0 : index
          %parallel_loop3A_135 = tpu.vector_load %arg10[%parallel_loop3A_133, %parallel_loop3A_134] {strides = array<i32>} : memref<80x64xi32, #tpu.memory_space<vmem>>, vector<16xi32>,
          %parallel_loop3A_136 = arith.constant 16 : i32
          %parallel_loop3A_137 = vector.broadcast %parallel_loop3A_136 : i32 to vector<16xi32>
          %parallel_loop3A_138 = arith.shli %parallel_loop3A_135, %parallel_loop3A_137 : vector<16xi32>
          %parallel_loop3A_139 = vector.bitcast %parallel_loop3A_138 : vector<16xi32> to vector<16xf32>
          %parallel_loop3A_140 = vector.bitcast %parallel_loop3A_135 : vector<16xi32> to vector<16xf32>
          %parallel_loop3A_141 = arith.mulf %parallel_loop3A_131, %parallel_loop3A_139 : vector<16xf32>
          %parallel_loop3A_142 = arith.mulf %parallel_loop3A_132, %parallel_loop3A_140 : vector<16xf32>
          %parallel_loop3A_143 = arith.index_cast %parallel_loop3A_124 : i32 to index
          %parallel_loop3A_144 = arith.constant 16 : index
          %parallel_loop3A_145 = tpu.vector_load %arg9[%parallel_loop3A_143, %parallel_loop3A_144] {strides = array<i32>} : memref<80x64xi32, #tpu.memory_space<vmem>>, vector<16xi32>,
          %parallel_loop3A_146 = arith.constant 16 : i32
          %parallel_loop3A_147 = vector.broadcast %parallel_loop3A_146 : i32 to vector<16xi32>
          %parallel_loop3A_148 = arith.shli %parallel_loop3A_145, %parallel_loop3A_147 : vector<16xi32>
          %parallel_loop3A_149 = vector.bitcast %parallel_loop3A_148 : vector<16xi32> to vector<16xf32>
          %parallel_loop3A_150 = vector.bitcast %parallel_loop3A_145 : vector<16xi32> to vector<16xf32>
          %parallel_loop3A_151 = arith.index_cast %parallel_loop3A_124 : i32 to index
          %parallel_loop3A_152 = arith.constant 16 : index
          %parallel_loop3A_153 = tpu.vector_load %arg10[%parallel_loop3A_151, %parallel_loop3A_152] {strides = array<i32>} : memref<80x64xi32, #tpu.memory_space<vmem>>, vector<16xi32>,
          %parallel_loop3A_154 = arith.constant 16 : i32
          %parallel_loop3A_155 = vector.broadcast %parallel_loop3A_154 : i32 to vector<16xi32>
          %parallel_loop3A_156 = arith.shli %parallel_loop3A_153, %parallel_loop3A_155 : vector<16xi32>
          %parallel_loop3A_157 = vector.bitcast %parallel_loop3A_156 : vector<16xi32> to vector<16xf32>
          %parallel_loop3A_158 = vector.bitcast %parallel_loop3A_153 : vector<16xi32> to vector<16xf32>
          %parallel_loop3A_159 = arith.mulf %parallel_loop3A_149, %parallel_loop3A_157 : vector<16xf32>
          %parallel_loop3A_160 = arith.mulf %parallel_loop3A_150, %parallel_loop3A_158 : vector<16xf32>
          %parallel_loop3A_161 = arith.index_cast %parallel_loop3A_124 : i32 to index
          %parallel_loop3A_162 = arith.constant 32 : index
          %parallel_loop3A_163 = tpu.vector_load %arg9[%parallel_loop3A_161, %parallel_loop3A_162] {strides = array<i32>} : memref<80x64xi32, #tpu.memory_space<vmem>>, vector<16xi32>,
          %parallel_loop3A_164 = arith.constant 16 : i32
          %parallel_loop3A_165 = vector.broadcast %parallel_loop3A_164 : i32 to vector<16xi32>
          %parallel_loop3A_166 = arith.shli %parallel_loop3A_163, %parallel_loop3A_165 : vector<16xi32>
          %parallel_loop3A_167 = vector.bitcast %parallel_loop3A_166 : vector<16xi32> to vector<16xf32>
          %parallel_loop3A_168 = vector.bitcast %parallel_loop3A_163 : vector<16xi32> to vector<16xf32>
          %parallel_loop3A_169 = arith.index_cast %parallel_loop3A_124 : i32 to index
          %parallel_loop3A_170 = arith.constant 32 : index
          %parallel_loop3A_171 = tpu.vector_load %arg10[%parallel_loop3A_169, %parallel_loop3A_170] {strides = array<i32>} : memref<80x64xi32, #tpu.memory_space<vmem>>, vector<16xi32>,
          %parallel_loop3A_172 = arith.constant 16 : i32
          %parallel_loop3A_173 = vector.broadcast %parallel_loop3A_172 : i32 to vector<16xi32>
          %parallel_loop3A_174 = arith.shli %parallel_loop3A_171, %parallel_loop3A_173 : vector<16xi32>
          %parallel_loop3A_175 = vector.bitcast %parallel_loop3A_174 : vector<16xi32> to vector<16xf32>
          %parallel_loop3A_176 = vector.bitcast %parallel_loop3A_171 : vector<16xi32> to vector<16xf32>
          %parallel_loop3A_177 = arith.mulf %parallel_loop3A_167, %parallel_loop3A_175 : vector<16xf32>
          %parallel_loop3A_178 = arith.mulf %parallel_loop3A_168, %parallel_loop3A_176 : vector<16xf32>
          %parallel_loop3A_179 = arith.index_cast %parallel_loop3A_124 : i32 to index
          %parallel_loop3A_180 = arith.constant 48 : index
          %parallel_loop3A_181 = tpu.vector_load %arg9[%parallel_loop3A_179, %parallel_loop3A_180] {strides = array<i32>} : memref<80x64xi32, #tpu.memory_space<vmem>>, vector<16xi32>,
          %parallel_loop3A_182 = arith.constant 16 : i32
          %parallel_loop3A_183 = vector.broadcast %parallel_loop3A_182 : i32 to vector<16xi32>
          %parallel_loop3A_184 = arith.shli %parallel_loop3A_181, %parallel_loop3A_183 : vector<16xi32>
          %parallel_loop3A_185 = vector.bitcast %parallel_loop3A_184 : vector<16xi32> to vector<16xf32>
          %parallel_loop3A_186 = vector.bitcast %parallel_loop3A_181 : vector<16xi32> to vector<16xf32>
          %parallel_loop3A_187 = arith.index_cast %parallel_loop3A_124 : i32 to index
          %parallel_loop3A_188 = arith.constant 48 : index
          %parallel_loop3A_189 = tpu.vector_load %arg10[%parallel_loop3A_187, %parallel_loop3A_188] {strides = array<i32>} : memref<80x64xi32, #tpu.memory_space<vmem>>, vector<16xi32>,
          %parallel_loop3A_190 = arith.constant 16 : i32
          %parallel_loop3A_191 = vector.broadcast %parallel_loop3A_190 : i32 to vector<16xi32>
          %parallel_loop3A_192 = arith.shli %parallel_loop3A_189, %parallel_loop3A_191 : vector<16xi32>
          %parallel_loop3A_193 = vector.bitcast %parallel_loop3A_192 : vector<16xi32> to vector<16xf32>
          %parallel_loop3A_194 = vector.bitcast %parallel_loop3A_189 : vector<16xi32> to vector<16xf32>
          %parallel_loop3A_195 = arith.mulf %parallel_loop3A_185, %parallel_loop3A_193 : vector<16xf32>
          %parallel_loop3A_196 = arith.mulf %parallel_loop3A_186, %parallel_loop3A_194 : vector<16xf32>
          %parallel_loop3A_197 = arith.addf %parallel_loop3A_141, %parallel_loop3A_142 : vector<16xf32>
          %parallel_loop3A_198 = arith.addf %parallel_loop3A_159, %parallel_loop3A_160 : vector<16xf32>
          %parallel_loop3A_199 = arith.addf %parallel_loop3A_197, %parallel_loop3A_198 : vector<16xf32>
          %parallel_loop3A_200 = arith.addf %parallel_loop3A_177, %parallel_loop3A_178 : vector<16xf32>
          %parallel_loop3A_201 = arith.addf %parallel_loop3A_195, %parallel_loop3A_196 : vector<16xf32>
          %parallel_loop3A_202 = arith.addf %parallel_loop3A_200, %parallel_loop3A_201 : vector<16xf32>
          %parallel_loop3A_203 = arith.addf %parallel_loop3A_199, %parallel_loop3A_202 : vector<16xf32>
          %parallel_loop3A_204 = arith.constant 4 : i32
          %parallel_loop3A_205 = arith.muli %parallel_loop3A_204, %parallel_loop3A_118 : i32
          %parallel_loop3A_206 = arith.addi %parallel_loop3A_98, %parallel_loop3A_205 : i32
          %parallel_loop3A_207 = arith.constant 1 : i32
          %parallel_loop3A_208 = arith.addi %parallel_loop3A_206, %parallel_loop3A_207 : i32
          %parallel_loop3A_209 = arith.index_cast %parallel_loop3A_208 : i32 to index
          %parallel_loop3A_210 = arith.constant 0 : index
          %parallel_loop3A_211 = tpu.vector_load %arg9[%parallel_loop3A_209, %parallel_loop3A_210] {strides = array<i32>} : memref<80x64xi32, #tpu.memory_space<vmem>>, vector<16xi32>,
          %parallel_loop3A_212 = arith.constant 16 : i32
          %parallel_loop3A_213 = vector.broadcast %parallel_loop3A_212 : i32 to vector<16xi32>
          %parallel_loop3A_214 = arith.shli %parallel_loop3A_211, %parallel_loop3A_213 : vector<16xi32>
          %parallel_loop3A_215 = vector.bitcast %parallel_loop3A_214 : vector<16xi32> to vector<16xf32>
          %parallel_loop3A_216 = vector.bitcast %parallel_loop3A_211 : vector<16xi32> to vector<16xf32>
          %parallel_loop3A_217 = arith.index_cast %parallel_loop3A_208 : i32 to index
          %parallel_loop3A_218 = arith.constant 0 : index
          %parallel_loop3A_219 = tpu.vector_load %arg10[%parallel_loop3A_217, %parallel_loop3A_218] {strides = array<i32>} : memref<80x64xi32, #tpu.memory_space<vmem>>, vector<16xi32>,
          %parallel_loop3A_220 = arith.constant 16 : i32
          %parallel_loop3A_221 = vector.broadcast %parallel_loop3A_220 : i32 to vector<16xi32>
          %parallel_loop3A_222 = arith.shli %parallel_loop3A_219, %parallel_loop3A_221 : vector<16xi32>
          %parallel_loop3A_223 = vector.bitcast %parallel_loop3A_222 : vector<16xi32> to vector<16xf32>
          %parallel_loop3A_224 = vector.bitcast %parallel_loop3A_219 : vector<16xi32> to vector<16xf32>
          %parallel_loop3A_225 = arith.mulf %parallel_loop3A_215, %parallel_loop3A_223 : vector<16xf32>
          %parallel_loop3A_226 = arith.mulf %parallel_loop3A_216, %parallel_loop3A_224 : vector<16xf32>
          %parallel_loop3A_227 = arith.index_cast %parallel_loop3A_208 : i32 to index
          %parallel_loop3A_228 = arith.constant 16 : index
          %parallel_loop3A_229 = tpu.vector_load %arg9[%parallel_loop3A_227, %parallel_loop3A_228] {strides = array<i32>} : memref<80x64xi32, #tpu.memory_space<vmem>>, vector<16xi32>,
          %parallel_loop3A_230 = arith.constant 16 : i32
          %parallel_loop3A_231 = vector.broadcast %parallel_loop3A_230 : i32 to vector<16xi32>
          %parallel_loop3A_232 = arith.shli %parallel_loop3A_229, %parallel_loop3A_231 : vector<16xi32>
          %parallel_loop3A_233 = vector.bitcast %parallel_loop3A_232 : vector<16xi32> to vector<16xf32>
          %parallel_loop3A_234 = vector.bitcast %parallel_loop3A_229 : vector<16xi32> to vector<16xf32>
          %parallel_loop3A_235 = arith.index_cast %parallel_loop3A_208 : i32 to index
          %parallel_loop3A_236 = arith.constant 16 : index
          %parallel_loop3A_237 = tpu.vector_load %arg10[%parallel_loop3A_235, %parallel_loop3A_236] {strides = array<i32>} : memref<80x64xi32, #tpu.memory_space<vmem>>, vector<16xi32>,
          %parallel_loop3A_238 = arith.constant 16 : i32
          %parallel_loop3A_239 = vector.broadcast %parallel_loop3A_238 : i32 to vector<16xi32>
          %parallel_loop3A_240 = arith.shli %parallel_loop3A_237, %parallel_loop3A_239 : vector<16xi32>
          %parallel_loop3A_241 = vector.bitcast %parallel_loop3A_240 : vector<16xi32> to vector<16xf32>
          %parallel_loop3A_242 = vector.bitcast %parallel_loop3A_237 : vector<16xi32> to vector<16xf32>
          %parallel_loop3A_243 = arith.mulf %parallel_loop3A_233, %parallel_loop3A_241 : vector<16xf32>
          %parallel_loop3A_244 = arith.mulf %parallel_loop3A_234, %parallel_loop3A_242 : vector<16xf32>
          %parallel_loop3A_245 = arith.index_cast %parallel_loop3A_208 : i32 to index
          %parallel_loop3A_246 = arith.constant 32 : index
          %parallel_loop3A_247 = tpu.vector_load %arg9[%parallel_loop3A_245, %parallel_loop3A_246] {strides = array<i32>} : memref<80x64xi32, #tpu.memory_space<vmem>>, vector<16xi32>,
          %parallel_loop3A_248 = arith.constant 16 : i32
          %parallel_loop3A_249 = vector.broadcast %parallel_loop3A_248 : i32 to vector<16xi32>
          %parallel_loop3A_250 = arith.shli %parallel_loop3A_247, %parallel_loop3A_249 : vector<16xi32>
          %parallel_loop3A_251 = vector.bitcast %parallel_loop3A_250 : vector<16xi32> to vector<16xf32>
          %parallel_loop3A_252 = vector.bitcast %parallel_loop3A_247 : vector<16xi32> to vector<16xf32>
          %parallel_loop3A_253 = arith.index_cast %parallel_loop3A_208 : i32 to index
          %parallel_loop3A_254 = arith.constant 32 : index
          %parallel_loop3A_255 = tpu.vector_load %arg10[%parallel_loop3A_253, %parallel_loop3A_254] {strides = array<i32>} : memref<80x64xi32, #tpu.memory_space<vmem>>, vector<16xi32>,
          %parallel_loop3A_256 = arith.constant 16 : i32
          %parallel_loop3A_257 = vector.broadcast %parallel_loop3A_256 : i32 to vector<16xi32>
          %parallel_loop3A_258 = arith.shli %parallel_loop3A_255, %parallel_loop3A_257 : vector<16xi32>
          %parallel_loop3A_259 = vector.bitcast %parallel_loop3A_258 : vector<16xi32> to vector<16xf32>
          %parallel_loop3A_260 = vector.bitcast %parallel_loop3A_255 : vector<16xi32> to vector<16xf32>
          %parallel_loop3A_261 = arith.mulf %parallel_loop3A_251, %parallel_loop3A_259 : vector<16xf32>
          %parallel_loop3A_262 = arith.mulf %parallel_loop3A_252, %parallel_loop3A_260 : vector<16xf32>
          %parallel_loop3A_263 = arith.index_cast %parallel_loop3A_208 : i32 to index
          %parallel_loop3A_264 = arith.constant 48 : index
          %parallel_loop3A_265 = tpu.vector_load %arg9[%parallel_loop3A_263, %parallel_loop3A_264] {strides = array<i32>} : memref<80x64xi32, #tpu.memory_space<vmem>>, vector<16xi32>,
          %parallel_loop3A_266 = arith.constant 16 : i32
          %parallel_loop3A_267 = vector.broadcast %parallel_loop3A_266 : i32 to vector<16xi32>
          %parallel_loop3A_268 = arith.shli %parallel_loop3A_265, %parallel_loop3A_267 : vector<16xi32>
          %parallel_loop3A_269 = vector.bitcast %parallel_loop3A_268 : vector<16xi32> to vector<16xf32>
          %parallel_loop3A_270 = vector.bitcast %parallel_loop3A_265 : vector<16xi32> to vector<16xf32>
          %parallel_loop3A_271 = arith.index_cast %parallel_loop3A_208 : i32 to index
          %parallel_loop3A_272 = arith.constant 48 : index
          %parallel_loop3A_273 = tpu.vector_load %arg10[%parallel_loop3A_271, %parallel_loop3A_272] {strides = array<i32>} : memref<80x64xi32, #tpu.memory_space<vmem>>, vector<16xi32>,
          %parallel_loop3A_274 = arith.constant 16 : i32
          %parallel_loop3A_275 = vector.broadcast %parallel_loop3A_274 : i32 to vector<16xi32>
          %parallel_loop3A_276 = arith.shli %parallel_loop3A_273, %parallel_loop3A_275 : vector<16xi32>
          %parallel_loop3A_277 = vector.bitcast %parallel_loop3A_276 : vector<16xi32> to vector<16xf32>
          %parallel_loop3A_278 = vector.bitcast %parallel_loop3A_273 : vector<16xi32> to vector<16xf32>
          %parallel_loop3A_279 = arith.mulf %parallel_loop3A_269, %parallel_loop3A_277 : vector<16xf32>
          %parallel_loop3A_280 = arith.mulf %parallel_loop3A_270, %parallel_loop3A_278 : vector<16xf32>
          %parallel_loop3A_281 = arith.addf %parallel_loop3A_225, %parallel_loop3A_226 : vector<16xf32>
          %parallel_loop3A_282 = arith.addf %parallel_loop3A_243, %parallel_loop3A_244 : vector<16xf32>
          %parallel_loop3A_283 = arith.addf %parallel_loop3A_281, %parallel_loop3A_282 : vector<16xf32>
          %parallel_loop3A_284 = arith.addf %parallel_loop3A_261, %parallel_loop3A_262 : vector<16xf32>
          %parallel_loop3A_285 = arith.addf %parallel_loop3A_279, %parallel_loop3A_280 : vector<16xf32>
          %parallel_loop3A_286 = arith.addf %parallel_loop3A_284, %parallel_loop3A_285 : vector<16xf32>
          %parallel_loop3A_287 = arith.addf %parallel_loop3A_283, %parallel_loop3A_286 : vector<16xf32>
          %parallel_loop3A_288 = arith.constant 4 : i32
          %parallel_loop3A_289 = arith.muli %parallel_loop3A_288, %parallel_loop3A_118 : i32
          %parallel_loop3A_290 = arith.addi %parallel_loop3A_98, %parallel_loop3A_289 : i32
          %parallel_loop3A_291 = arith.constant 2 : i32
          %parallel_loop3A_292 = arith.addi %parallel_loop3A_290, %parallel_loop3A_291 : i32
          %parallel_loop3A_293 = arith.index_cast %parallel_loop3A_292 : i32 to index
          %parallel_loop3A_294 = arith.constant 0 : index
          %parallel_loop3A_295 = tpu.vector_load %arg9[%parallel_loop3A_293, %parallel_loop3A_294] {strides = array<i32>} : memref<80x64xi32, #tpu.memory_space<vmem>>, vector<16xi32>,
          %parallel_loop3A_296 = arith.constant 16 : i32
          %parallel_loop3A_297 = vector.broadcast %parallel_loop3A_296 : i32 to vector<16xi32>
          %parallel_loop3A_298 = arith.shli %parallel_loop3A_295, %parallel_loop3A_297 : vector<16xi32>
          %parallel_loop3A_299 = vector.bitcast %parallel_loop3A_298 : vector<16xi32> to vector<16xf32>
          %parallel_loop3A_300 = vector.bitcast %parallel_loop3A_295 : vector<16xi32> to vector<16xf32>
          %parallel_loop3A_301 = arith.index_cast %parallel_loop3A_292 : i32 to index
          %parallel_loop3A_302 = arith.constant 0 : index
          %parallel_loop3A_303 = tpu.vector_load %arg10[%parallel_loop3A_301, %parallel_loop3A_302] {strides = array<i32>} : memref<80x64xi32, #tpu.memory_space<vmem>>, vector<16xi32>,
          %parallel_loop3A_304 = arith.constant 16 : i32
          %parallel_loop3A_305 = vector.broadcast %parallel_loop3A_304 : i32 to vector<16xi32>
          %parallel_loop3A_306 = arith.shli %parallel_loop3A_303, %parallel_loop3A_305 : vector<16xi32>
          %parallel_loop3A_307 = vector.bitcast %parallel_loop3A_306 : vector<16xi32> to vector<16xf32>
          %parallel_loop3A_308 = vector.bitcast %parallel_loop3A_303 : vector<16xi32> to vector<16xf32>
          %parallel_loop3A_309 = arith.mulf %parallel_loop3A_299, %parallel_loop3A_307 : vector<16xf32>
          %parallel_loop3A_310 = arith.mulf %parallel_loop3A_300, %parallel_loop3A_308 : vector<16xf32>
          %parallel_loop3A_311 = arith.index_cast %parallel_loop3A_292 : i32 to index
          %parallel_loop3A_312 = arith.constant 16 : index
          %parallel_loop3A_313 = tpu.vector_load %arg9[%parallel_loop3A_311, %parallel_loop3A_312] {strides = array<i32>} : memref<80x64xi32, #tpu.memory_space<vmem>>, vector<16xi32>,
          %parallel_loop3A_314 = arith.constant 16 : i32
          %parallel_loop3A_315 = vector.broadcast %parallel_loop3A_314 : i32 to vector<16xi32>
          %parallel_loop3A_316 = arith.shli %parallel_loop3A_313, %parallel_loop3A_315 : vector<16xi32>
          %parallel_loop3A_317 = vector.bitcast %parallel_loop3A_316 : vector<16xi32> to vector<16xf32>
          %parallel_loop3A_318 = vector.bitcast %parallel_loop3A_313 : vector<16xi32> to vector<16xf32>
          %parallel_loop3A_319 = arith.index_cast %parallel_loop3A_292 : i32 to index
          %parallel_loop3A_320 = arith.constant 16 : index
          %parallel_loop3A_321 = tpu.vector_load %arg10[%parallel_loop3A_319, %parallel_loop3A_320] {strides = array<i32>} : memref<80x64xi32, #tpu.memory_space<vmem>>, vector<16xi32>,
          %parallel_loop3A_322 = arith.constant 16 : i32
          %parallel_loop3A_323 = vector.broadcast %parallel_loop3A_322 : i32 to vector<16xi32>
          %parallel_loop3A_324 = arith.shli %parallel_loop3A_321, %parallel_loop3A_323 : vector<16xi32>
          %parallel_loop3A_325 = vector.bitcast %parallel_loop3A_324 : vector<16xi32> to vector<16xf32>
          %parallel_loop3A_326 = vector.bitcast %parallel_loop3A_321 : vector<16xi32> to vector<16xf32>
          %parallel_loop3A_327 = arith.mulf %parallel_loop3A_317, %parallel_loop3A_325 : vector<16xf32>
          %parallel_loop3A_328 = arith.mulf %parallel_loop3A_318, %parallel_loop3A_326 : vector<16xf32>
          %parallel_loop3A_329 = arith.index_cast %parallel_loop3A_292 : i32 to index
          %parallel_loop3A_330 = arith.constant 32 : index
          %parallel_loop3A_331 = tpu.vector_load %arg9[%parallel_loop3A_329, %parallel_loop3A_330] {strides = array<i32>} : memref<80x64xi32, #tpu.memory_space<vmem>>, vector<16xi32>,
          %parallel_loop3A_332 = arith.constant 16 : i32
          %parallel_loop3A_333 = vector.broadcast %parallel_loop3A_332 : i32 to vector<16xi32>
          %parallel_loop3A_334 = arith.shli %parallel_loop3A_331, %parallel_loop3A_333 : vector<16xi32>
          %parallel_loop3A_335 = vector.bitcast %parallel_loop3A_334 : vector<16xi32> to vector<16xf32>
          %parallel_loop3A_336 = vector.bitcast %parallel_loop3A_331 : vector<16xi32> to vector<16xf32>
          %parallel_loop3A_337 = arith.index_cast %parallel_loop3A_292 : i32 to index
          %parallel_loop3A_338 = arith.constant 32 : index
          %parallel_loop3A_339 = tpu.vector_load %arg10[%parallel_loop3A_337, %parallel_loop3A_338] {strides = array<i32>} : memref<80x64xi32, #tpu.memory_space<vmem>>, vector<16xi32>,
          %parallel_loop3A_340 = arith.constant 16 : i32
          %parallel_loop3A_341 = vector.broadcast %parallel_loop3A_340 : i32 to vector<16xi32>
          %parallel_loop3A_342 = arith.shli %parallel_loop3A_339, %parallel_loop3A_341 : vector<16xi32>
          %parallel_loop3A_343 = vector.bitcast %parallel_loop3A_342 : vector<16xi32> to vector<16xf32>
          %parallel_loop3A_344 = vector.bitcast %parallel_loop3A_339 : vector<16xi32> to vector<16xf32>
          %parallel_loop3A_345 = arith.mulf %parallel_loop3A_335, %parallel_loop3A_343 : vector<16xf32>
          %parallel_loop3A_346 = arith.mulf %parallel_loop3A_336, %parallel_loop3A_344 : vector<16xf32>
          %parallel_loop3A_347 = arith.index_cast %parallel_loop3A_292 : i32 to index
          %parallel_loop3A_348 = arith.constant 48 : index
          %parallel_loop3A_349 = tpu.vector_load %arg9[%parallel_loop3A_347, %parallel_loop3A_348] {strides = array<i32>} : memref<80x64xi32, #tpu.memory_space<vmem>>, vector<16xi32>,
          %parallel_loop3A_350 = arith.constant 16 : i32
          %parallel_loop3A_351 = vector.broadcast %parallel_loop3A_350 : i32 to vector<16xi32>
          %parallel_loop3A_352 = arith.shli %parallel_loop3A_349, %parallel_loop3A_351 : vector<16xi32>
          %parallel_loop3A_353 = vector.bitcast %parallel_loop3A_352 : vector<16xi32> to vector<16xf32>
          %parallel_loop3A_354 = vector.bitcast %parallel_loop3A_349 : vector<16xi32> to vector<16xf32>
          %parallel_loop3A_355 = arith.index_cast %parallel_loop3A_292 : i32 to index
          %parallel_loop3A_356 = arith.constant 48 : index
          %parallel_loop3A_357 = tpu.vector_load %arg10[%parallel_loop3A_355, %parallel_loop3A_356] {strides = array<i32>} : memref<80x64xi32, #tpu.memory_space<vmem>>, vector<16xi32>,
          %parallel_loop3A_358 = arith.constant 16 : i32
          %parallel_loop3A_359 = vector.broadcast %parallel_loop3A_358 : i32 to vector<16xi32>
          %parallel_loop3A_360 = arith.shli %parallel_loop3A_357, %parallel_loop3A_359 : vector<16xi32>
          %parallel_loop3A_361 = vector.bitcast %parallel_loop3A_360 : vector<16xi32> to vector<16xf32>
          %parallel_loop3A_362 = vector.bitcast %parallel_loop3A_357 : vector<16xi32> to vector<16xf32>
          %parallel_loop3A_363 = arith.mulf %parallel_loop3A_353, %parallel_loop3A_361 : vector<16xf32>
          %parallel_loop3A_364 = arith.mulf %parallel_loop3A_354, %parallel_loop3A_362 : vector<16xf32>
          %parallel_loop3A_365 = arith.addf %parallel_loop3A_309, %parallel_loop3A_310 : vector<16xf32>
          %parallel_loop3A_366 = arith.addf %parallel_loop3A_327, %parallel_loop3A_328 : vector<16xf32>
          %parallel_loop3A_367 = arith.addf %parallel_loop3A_365, %parallel_loop3A_366 : vector<16xf32>
          %parallel_loop3A_368 = arith.addf %parallel_loop3A_345, %parallel_loop3A_346 : vector<16xf32>
          %parallel_loop3A_369 = arith.addf %parallel_loop3A_363, %parallel_loop3A_364 : vector<16xf32>
          %parallel_loop3A_370 = arith.addf %parallel_loop3A_368, %parallel_loop3A_369 : vector<16xf32>
          %parallel_loop3A_371 = arith.addf %parallel_loop3A_367, %parallel_loop3A_370 : vector<16xf32>
          %parallel_loop3A_372 = arith.constant 4 : i32
          %parallel_loop3A_373 = arith.muli %parallel_loop3A_372, %parallel_loop3A_118 : i32
          %parallel_loop3A_374 = arith.addi %parallel_loop3A_98, %parallel_loop3A_373 : i32
          %parallel_loop3A_375 = arith.constant 3 : i32
          %parallel_loop3A_376 = arith.addi %parallel_loop3A_374, %parallel_loop3A_375 : i32
          %parallel_loop3A_377 = arith.index_cast %parallel_loop3A_376 : i32 to index
          %parallel_loop3A_378 = arith.constant 0 : index
          %parallel_loop3A_379 = tpu.vector_load %arg9[%parallel_loop3A_377, %parallel_loop3A_378] {strides = array<i32>} : memref<80x64xi32, #tpu.memory_space<vmem>>, vector<16xi32>,
          %parallel_loop3A_380 = arith.constant 16 : i32
          %parallel_loop3A_381 = vector.broadcast %parallel_loop3A_380 : i32 to vector<16xi32>
          %parallel_loop3A_382 = arith.shli %parallel_loop3A_379, %parallel_loop3A_381 : vector<16xi32>
          %parallel_loop3A_383 = vector.bitcast %parallel_loop3A_382 : vector<16xi32> to vector<16xf32>
          %parallel_loop3A_384 = vector.bitcast %parallel_loop3A_379 : vector<16xi32> to vector<16xf32>
          %parallel_loop3A_385 = arith.index_cast %parallel_loop3A_376 : i32 to index
          %parallel_loop3A_386 = arith.constant 0 : index
          %parallel_loop3A_387 = tpu.vector_load %arg10[%parallel_loop3A_385, %parallel_loop3A_386] {strides = array<i32>} : memref<80x64xi32, #tpu.memory_space<vmem>>, vector<16xi32>,
          %parallel_loop3A_388 = arith.constant 16 : i32
          %parallel_loop3A_389 = vector.broadcast %parallel_loop3A_388 : i32 to vector<16xi32>
          %parallel_loop3A_390 = arith.shli %parallel_loop3A_387, %parallel_loop3A_389 : vector<16xi32>
          %parallel_loop3A_391 = vector.bitcast %parallel_loop3A_390 : vector<16xi32> to vector<16xf32>
          %parallel_loop3A_392 = vector.bitcast %parallel_loop3A_387 : vector<16xi32> to vector<16xf32>
          %parallel_loop3A_393 = arith.mulf %parallel_loop3A_383, %parallel_loop3A_391 : vector<16xf32>
          %parallel_loop3A_394 = arith.mulf %parallel_loop3A_384, %parallel_loop3A_392 : vector<16xf32>
          %parallel_loop3A_395 = arith.index_cast %parallel_loop3A_376 : i32 to index
          %parallel_loop3A_396 = arith.constant 16 : index
          %parallel_loop3A_397 = tpu.vector_load %arg9[%parallel_loop3A_395, %parallel_loop3A_396] {strides = array<i32>} : memref<80x64xi32, #tpu.memory_space<vmem>>, vector<16xi32>,
          %parallel_loop3A_398 = arith.constant 16 : i32
          %parallel_loop3A_399 = vector.broadcast %parallel_loop3A_398 : i32 to vector<16xi32>
          %parallel_loop3A_400 = arith.shli %parallel_loop3A_397, %parallel_loop3A_399 : vector<16xi32>
          %parallel_loop3A_401 = vector.bitcast %parallel_loop3A_400 : vector<16xi32> to vector<16xf32>
          %parallel_loop3A_402 = vector.bitcast %parallel_loop3A_397 : vector<16xi32> to vector<16xf32>
          %parallel_loop3A_403 = arith.index_cast %parallel_loop3A_376 : i32 to index
          %parallel_loop3A_404 = arith.constant 16 : index
          %parallel_loop3A_405 = tpu.vector_load %arg10[%parallel_loop3A_403, %parallel_loop3A_404] {strides = array<i32>} : memref<80x64xi32, #tpu.memory_space<vmem>>, vector<16xi32>,
          %parallel_loop3A_406 = arith.constant 16 : i32
          %parallel_loop3A_407 = vector.broadcast %parallel_loop3A_406 : i32 to vector<16xi32>
          %parallel_loop3A_408 = arith.shli %parallel_loop3A_405, %parallel_loop3A_407 : vector<16xi32>
          %parallel_loop3A_409 = vector.bitcast %parallel_loop3A_408 : vector<16xi32> to vector<16xf32>
          %parallel_loop3A_410 = vector.bitcast %parallel_loop3A_405 : vector<16xi32> to vector<16xf32>
          %parallel_loop3A_411 = arith.mulf %parallel_loop3A_401, %parallel_loop3A_409 : vector<16xf32>
          %parallel_loop3A_412 = arith.mulf %parallel_loop3A_402, %parallel_loop3A_410 : vector<16xf32>
          %parallel_loop3A_413 = arith.index_cast %parallel_loop3A_376 : i32 to index
          %parallel_loop3A_414 = arith.constant 32 : index
          %parallel_loop3A_415 = tpu.vector_load %arg9[%parallel_loop3A_413, %parallel_loop3A_414] {strides = array<i32>} : memref<80x64xi32, #tpu.memory_space<vmem>>, vector<16xi32>,
          %parallel_loop3A_416 = arith.constant 16 : i32
          %parallel_loop3A_417 = vector.broadcast %parallel_loop3A_416 : i32 to vector<16xi32>
          %parallel_loop3A_418 = arith.shli %parallel_loop3A_415, %parallel_loop3A_417 : vector<16xi32>
          %parallel_loop3A_419 = vector.bitcast %parallel_loop3A_418 : vector<16xi32> to vector<16xf32>
          %parallel_loop3A_420 = vector.bitcast %parallel_loop3A_415 : vector<16xi32> to vector<16xf32>
          %parallel_loop3A_421 = arith.index_cast %parallel_loop3A_376 : i32 to index
          %parallel_loop3A_422 = arith.constant 32 : index
          %parallel_loop3A_423 = tpu.vector_load %arg10[%parallel_loop3A_421, %parallel_loop3A_422] {strides = array<i32>} : memref<80x64xi32, #tpu.memory_space<vmem>>, vector<16xi32>,
          %parallel_loop3A_424 = arith.constant 16 : i32
          %parallel_loop3A_425 = vector.broadcast %parallel_loop3A_424 : i32 to vector<16xi32>
          %parallel_loop3A_426 = arith.shli %parallel_loop3A_423, %parallel_loop3A_425 : vector<16xi32>
          %parallel_loop3A_427 = vector.bitcast %parallel_loop3A_426 : vector<16xi32> to vector<16xf32>
          %parallel_loop3A_428 = vector.bitcast %parallel_loop3A_423 : vector<16xi32> to vector<16xf32>
          %parallel_loop3A_429 = arith.mulf %parallel_loop3A_419, %parallel_loop3A_427 : vector<16xf32>
          %parallel_loop3A_430 = arith.mulf %parallel_loop3A_420, %parallel_loop3A_428 : vector<16xf32>
          %parallel_loop3A_431 = arith.index_cast %parallel_loop3A_376 : i32 to index
          %parallel_loop3A_432 = arith.constant 48 : index
          %parallel_loop3A_433 = tpu.vector_load %arg9[%parallel_loop3A_431, %parallel_loop3A_432] {strides = array<i32>} : memref<80x64xi32, #tpu.memory_space<vmem>>, vector<16xi32>,
          %parallel_loop3A_434 = arith.constant 16 : i32
          %parallel_loop3A_435 = vector.broadcast %parallel_loop3A_434 : i32 to vector<16xi32>
          %parallel_loop3A_436 = arith.shli %parallel_loop3A_433, %parallel_loop3A_435 : vector<16xi32>
          %parallel_loop3A_437 = vector.bitcast %parallel_loop3A_436 : vector<16xi32> to vector<16xf32>
          %parallel_loop3A_438 = vector.bitcast %parallel_loop3A_433 : vector<16xi32> to vector<16xf32>
          %parallel_loop3A_439 = arith.index_cast %parallel_loop3A_376 : i32 to index
          %parallel_loop3A_440 = arith.constant 48 : index
          %parallel_loop3A_441 = tpu.vector_load %arg10[%parallel_loop3A_439, %parallel_loop3A_440] {strides = array<i32>} : memref<80x64xi32, #tpu.memory_space<vmem>>, vector<16xi32>,
          %parallel_loop3A_442 = arith.constant 16 : i32
          %parallel_loop3A_443 = vector.broadcast %parallel_loop3A_442 : i32 to vector<16xi32>
          %parallel_loop3A_444 = arith.shli %parallel_loop3A_441, %parallel_loop3A_443 : vector<16xi32>
          %parallel_loop3A_445 = vector.bitcast %parallel_loop3A_444 : vector<16xi32> to vector<16xf32>
          %parallel_loop3A_446 = vector.bitcast %parallel_loop3A_441 : vector<16xi32> to vector<16xf32>
          %parallel_loop3A_447 = arith.mulf %parallel_loop3A_437, %parallel_loop3A_445 : vector<16xf32>
          %parallel_loop3A_448 = arith.mulf %parallel_loop3A_438, %parallel_loop3A_446 : vector<16xf32>
          %parallel_loop3A_449 = arith.addf %parallel_loop3A_393, %parallel_loop3A_394 : vector<16xf32>
          %parallel_loop3A_450 = arith.addf %parallel_loop3A_411, %parallel_loop3A_412 : vector<16xf32>
          %parallel_loop3A_451 = arith.addf %parallel_loop3A_449, %parallel_loop3A_450 : vector<16xf32>
          %parallel_loop3A_452 = arith.addf %parallel_loop3A_429, %parallel_loop3A_430 : vector<16xf32>
          %parallel_loop3A_453 = arith.addf %parallel_loop3A_447, %parallel_loop3A_448 : vector<16xf32>
          %parallel_loop3A_454 = arith.addf %parallel_loop3A_452, %parallel_loop3A_453 : vector<16xf32>
          %parallel_loop3A_455 = arith.addf %parallel_loop3A_451, %parallel_loop3A_454 : vector<16xf32>
          %parallel_loop3A_456 = arith.constant 8 : i32
          %parallel_loop3A_457 = vector.broadcast %parallel_loop3A_456 : i32 to vector<16xi32>
          %parallel_loop3A_458 = arith.xori %iota3A, %parallel_loop3A_457 : vector<16xi32>
          %parallel_loop3A_459 = vector.shape_cast %parallel_loop3A_458 : vector<16xi32> to vector<16x1xi32>
          %parallel_loop3A_460 = vector.shape_cast %parallel_loop3A_459 : vector<16x1xi32> to vector<16xi32>
          %parallel_loop3A_461 = tpu.dynamic_gather %parallel_loop3A_203[%parallel_loop3A_460] in [0] : vector<16xf32>, vector<16xi32> -> vector<16xf32>
          %parallel_loop3A_462 = arith.addf %parallel_loop3A_203, %parallel_loop3A_461 : vector<16xf32>
          %parallel_loop3A_463 = arith.constant 8 : i32
          %parallel_loop3A_464 = vector.broadcast %parallel_loop3A_463 : i32 to vector<16xi32>
          %parallel_loop3A_465 = arith.xori %iota3A, %parallel_loop3A_464 : vector<16xi32>
          %parallel_loop3A_466 = vector.shape_cast %parallel_loop3A_465 : vector<16xi32> to vector<16x1xi32>
          %parallel_loop3A_467 = vector.shape_cast %parallel_loop3A_466 : vector<16x1xi32> to vector<16xi32>
          %parallel_loop3A_468 = tpu.dynamic_gather %parallel_loop3A_287[%parallel_loop3A_467] in [0] : vector<16xf32>, vector<16xi32> -> vector<16xf32>
          %parallel_loop3A_469 = arith.addf %parallel_loop3A_287, %parallel_loop3A_468 : vector<16xf32>
          %parallel_loop3A_470 = arith.constant 8 : i32
          %parallel_loop3A_471 = vector.broadcast %parallel_loop3A_470 : i32 to vector<16xi32>
          %parallel_loop3A_472 = arith.xori %iota3A, %parallel_loop3A_471 : vector<16xi32>
          %parallel_loop3A_473 = vector.shape_cast %parallel_loop3A_472 : vector<16xi32> to vector<16x1xi32>
          %parallel_loop3A_474 = vector.shape_cast %parallel_loop3A_473 : vector<16x1xi32> to vector<16xi32>
          %parallel_loop3A_475 = tpu.dynamic_gather %parallel_loop3A_371[%parallel_loop3A_474] in [0] : vector<16xf32>, vector<16xi32> -> vector<16xf32>
          %parallel_loop3A_476 = arith.addf %parallel_loop3A_371, %parallel_loop3A_475 : vector<16xf32>
          %parallel_loop3A_477 = arith.constant 8 : i32
          %parallel_loop3A_478 = vector.broadcast %parallel_loop3A_477 : i32 to vector<16xi32>
          %parallel_loop3A_479 = arith.xori %iota3A, %parallel_loop3A_478 : vector<16xi32>
          %parallel_loop3A_480 = vector.shape_cast %parallel_loop3A_479 : vector<16xi32> to vector<16x1xi32>
          %parallel_loop3A_481 = vector.shape_cast %parallel_loop3A_480 : vector<16x1xi32> to vector<16xi32>
          %parallel_loop3A_482 = tpu.dynamic_gather %parallel_loop3A_455[%parallel_loop3A_481] in [0] : vector<16xf32>, vector<16xi32> -> vector<16xf32>
          %parallel_loop3A_483 = arith.addf %parallel_loop3A_455, %parallel_loop3A_482 : vector<16xf32>
          %parallel_loop3A_484 = arith.constant 8 : i32
          %parallel_loop3A_485 = vector.broadcast %parallel_loop3A_484 : i32 to vector<16xi32>
          %parallel_loop3A_486 = arith.cmpi slt, %iota3A, %parallel_loop3A_485 : vector<16xi32>
          %parallel_loop3A_487 = arith.select %parallel_loop3A_486, %parallel_loop3A_462, %parallel_loop3A_469 : vector<16xi1>, vector<16xf32>
          %parallel_loop3A_488 = arith.constant 8 : i32
          %parallel_loop3A_489 = vector.broadcast %parallel_loop3A_488 : i32 to vector<16xi32>
          %parallel_loop3A_490 = arith.cmpi slt, %iota3A, %parallel_loop3A_489 : vector<16xi32>
          %parallel_loop3A_491 = arith.select %parallel_loop3A_490, %parallel_loop3A_476, %parallel_loop3A_483 : vector<16xi1>, vector<16xf32>
          %parallel_loop3A_492 = arith.constant 4 : i32
          %parallel_loop3A_493 = vector.broadcast %parallel_loop3A_492 : i32 to vector<16xi32>
          %parallel_loop3A_494 = arith.xori %iota3A, %parallel_loop3A_493 : vector<16xi32>
          %parallel_loop3A_495 = vector.shape_cast %parallel_loop3A_494 : vector<16xi32> to vector<16x1xi32>
          %parallel_loop3A_496 = vector.shape_cast %parallel_loop3A_495 : vector<16x1xi32> to vector<16xi32>
          %parallel_loop3A_497 = tpu.dynamic_gather %parallel_loop3A_487[%parallel_loop3A_496] in [0] : vector<16xf32>, vector<16xi32> -> vector<16xf32>
          %parallel_loop3A_498 = arith.addf %parallel_loop3A_487, %parallel_loop3A_497 : vector<16xf32>
          %parallel_loop3A_499 = arith.constant 4 : i32
          %parallel_loop3A_500 = vector.broadcast %parallel_loop3A_499 : i32 to vector<16xi32>
          %parallel_loop3A_501 = arith.xori %iota3A, %parallel_loop3A_500 : vector<16xi32>
          %parallel_loop3A_502 = vector.shape_cast %parallel_loop3A_501 : vector<16xi32> to vector<16x1xi32>
          %parallel_loop3A_503 = vector.shape_cast %parallel_loop3A_502 : vector<16x1xi32> to vector<16xi32>
          %parallel_loop3A_504 = tpu.dynamic_gather %parallel_loop3A_491[%parallel_loop3A_503] in [0] : vector<16xf32>, vector<16xi32> -> vector<16xf32>
          %parallel_loop3A_505 = arith.addf %parallel_loop3A_491, %parallel_loop3A_504 : vector<16xf32>
          %parallel_loop3A_506 = arith.constant 4 : i32
          %parallel_loop3A_507 = vector.broadcast %parallel_loop3A_506 : i32 to vector<16xi32>
          %parallel_loop3A_508 = arith.andi %iota3A, %parallel_loop3A_507 : vector<16xi32>
          %parallel_loop3A_509 = arith.constant 0 : i32
          %parallel_loop3A_510 = vector.broadcast %parallel_loop3A_509 : i32 to vector<16xi32>
          %parallel_loop3A_511 = arith.cmpi eq, %parallel_loop3A_508, %parallel_loop3A_510 : vector<16xi32>
          %parallel_loop3A_512 = arith.select %parallel_loop3A_511, %parallel_loop3A_498, %parallel_loop3A_505 : vector<16xi1>, vector<16xf32>
          %parallel_loop3A_513 = arith.constant 2 : i32
          %parallel_loop3A_514 = vector.broadcast %parallel_loop3A_513 : i32 to vector<16xi32>
          %parallel_loop3A_515 = arith.xori %iota3A, %parallel_loop3A_514 : vector<16xi32>
          %parallel_loop3A_516 = vector.shape_cast %parallel_loop3A_515 : vector<16xi32> to vector<16x1xi32>
          %parallel_loop3A_517 = vector.shape_cast %parallel_loop3A_516 : vector<16x1xi32> to vector<16xi32>
          %parallel_loop3A_518 = tpu.dynamic_gather %parallel_loop3A_512[%parallel_loop3A_517] in [0] : vector<16xf32>, vector<16xi32> -> vector<16xf32>
          %parallel_loop3A_519 = arith.addf %parallel_loop3A_512, %parallel_loop3A_518 : vector<16xf32>
          %parallel_loop3A_520 = arith.constant 1 : i32
          %parallel_loop3A_521 = vector.broadcast %parallel_loop3A_520 : i32 to vector<16xi32>
          %parallel_loop3A_522 = arith.xori %iota3A, %parallel_loop3A_521 : vector<16xi32>
          %parallel_loop3A_523 = vector.shape_cast %parallel_loop3A_522 : vector<16xi32> to vector<16x1xi32>
          %parallel_loop3A_524 = vector.shape_cast %parallel_loop3A_523 : vector<16x1xi32> to vector<16xi32>
          %parallel_loop3A_525 = tpu.dynamic_gather %parallel_loop3A_519[%parallel_loop3A_524] in [0] : vector<16xf32>, vector<16xi32> -> vector<16xf32>
          %parallel_loop3A_526 = arith.addf %parallel_loop3A_519, %parallel_loop3A_525 : vector<16xf32>
          %parallel_loop3A_527 = arith.constant 3 : i32
          %parallel_loop3A_528 = vector.broadcast %parallel_loop3A_527 : i32 to vector<16xi32>
          %parallel_loop3A_529 = arith.andi %iota3A, %parallel_loop3A_528 : vector<16xi32>
          %parallel_loop3A_530 = arith.constant 1 : i32
          %parallel_loop3A_531 = vector.broadcast %parallel_loop3A_530 : i32 to vector<16xi32>
          %parallel_loop3A_532 = arith.andi %parallel_loop3A_529, %parallel_loop3A_531 : vector<16xi32>
          %parallel_loop3A_533 = arith.constant 3 : i32
          %parallel_loop3A_534 = vector.broadcast %parallel_loop3A_533 : i32 to vector<16xi32>
          %parallel_loop3A_535 = arith.shli %parallel_loop3A_532, %parallel_loop3A_534 : vector<16xi32>
          %parallel_loop3A_536 = arith.constant 2 : i32
          %parallel_loop3A_537 = vector.broadcast %parallel_loop3A_536 : i32 to vector<16xi32>
          %parallel_loop3A_538 = arith.andi %parallel_loop3A_529, %parallel_loop3A_537 : vector<16xi32>
          %parallel_loop3A_539 = arith.constant 1 : i32
          %parallel_loop3A_540 = vector.broadcast %parallel_loop3A_539 : i32 to vector<16xi32>
          %parallel_loop3A_541 = arith.shli %parallel_loop3A_538, %parallel_loop3A_540 : vector<16xi32>
          %parallel_loop3A_542 = arith.ori %parallel_loop3A_535, %parallel_loop3A_541 : vector<16xi32>
          %parallel_loop3A_543 = vector.shape_cast %parallel_loop3A_542 : vector<16xi32> to vector<16x1xi32>
          %parallel_loop3A_544 = vector.shape_cast %parallel_loop3A_543 : vector<16x1xi32> to vector<16xi32>
          %parallel_loop3A_545 = tpu.dynamic_gather %parallel_loop3A_526[%parallel_loop3A_544] in [0] : vector<16xf32>, vector<16xi32> -> vector<16xf32>
          %parallel_loop3A_546 = arith.constant 2 : i32
          %parallel_loop3A_547 = vector.broadcast %parallel_loop3A_546 : i32 to vector<16xi32>
          %parallel_loop3A_548 = arith.shrsi %iota3A, %parallel_loop3A_547 : vector<16xi32>
          %parallel_loop3A_549 = vector.broadcast %parallel_loop3A_118 : i32 to vector<16xi32>
          %parallel_loop3A_550 = arith.cmpi eq, %parallel_loop3A_548, %parallel_loop3A_549 : vector<16xi32>
          %parallel_loop3A_551 = arith.select %parallel_loop3A_550, %parallel_loop3A_545, %parallel_loop3A_119 : vector<16xi1>, vector<16xf32>
          scf.yield %parallel_loop3A_551 : vector<16xf32>
        } {sc.loop_unroll_factor = 1 : i64, sc.parallel_access}
        %parallel_loop3A_105 = arith.constant 0.000000e+00 : f32
        %parallel_loop3A_106 = vector.broadcast %parallel_loop3A_105 : f32 to vector<16xf32>
        %parallel_loop3A_107 = arith.subf %parallel_loop3A_106, %parallel_loop3A_104 : vector<16xf32>
        %parallel_loop3A_108 = math.exp %parallel_loop3A_107 : vector<16xf32>
        %parallel_loop3A_109 = arith.constant 1.000000e+00 : f32
        %parallel_loop3A_110 = vector.broadcast %parallel_loop3A_109 : f32 to vector<16xf32>
        %parallel_loop3A_111 = arith.addf %parallel_loop3A_110, %parallel_loop3A_108 : vector<16xf32>
        %parallel_loop3A_112 = arith.constant 1.000000e+00 : f32
        %parallel_loop3A_113 = vector.broadcast %parallel_loop3A_112 : f32 to vector<16xf32>
        %parallel_loop3A_114 = arith.divf %parallel_loop3A_113, %parallel_loop3A_111 : vector<16xf32>
        %parallel_loop3A_115 = arith.addi %mul3A_92, %parallel_loop3A_98 : i32
        %parallel_loop3A_116 = arith.index_cast %parallel_loop3A_115 : i32 to index
        %parallel_loop3A_117 = tpu.vector_load %arg11[%parallel_loop3A_116] {strides = array<i32>} : memref<10000xf32, #tpu.memory_space<vmem>>, vector<16xf32>,
        tpu.vector_store %arg11[%parallel_loop3A_116], %parallel_loop3A_114 {strides = array<i32>} : memref<10000xf32, #tpu.memory_space<vmem>>, vector<16xf32>,
      } {sc.loop_unroll_factor = 1 : i64, sc.parallel_access}
    }
    %scan3A_19 = arith.constant 62 : i32
    %dma_wait3A = arith.constant 0 : i32
    %dma_wait3A_20 = arith.constant 0 : i32
    %dma_wait3A_21 = tpu.memref_slice %arg2[%dma_wait3A, %dma_wait3A_20] : memref<10000x64xi32, #tpu.memory_space<hbm>> -> memref<80x64xi32, #tpu.memory_space<hbm>>
    %dma_wait3A_22 = arith.constant 0 : i32
    %dma_wait3A_23 = arith.constant 0 : i32
    %dma_wait3A_24 = tpu.memref_slice %arg2[%dma_wait3A_22, %dma_wait3A_23] : memref<10000x64xi32, #tpu.memory_space<hbm>> -> memref<80x64xi32, #tpu.memory_space<hbm>>
    tpu.wait_dma2 semaphore(%arg13 : memref<!tpu.dma_semaphore, #tpu.memory_space<semaphore_mem>>) src(%dma_wait3A_24 : memref<80x64xi32, #tpu.memory_space<hbm>>) dst(%arg7 : memref<80x64xi32, #tpu.memory_space<vmem>>)
    %dma_wait3A_25 = arith.constant 0 : i32
    %dma_wait3A_26 = arith.constant 0 : i32
    %dma_wait3A_27 = tpu.memref_slice %arg2[%dma_wait3A_25, %dma_wait3A_26] : memref<10000x64xi32, #tpu.memory_space<hbm>> -> memref<80x64xi32, #tpu.memory_space<hbm>>
    %dma_wait3A_28 = arith.constant 0 : i32
    %dma_wait3A_29 = arith.constant 0 : i32
    %dma_wait3A_30 = tpu.memref_slice %arg2[%dma_wait3A_28, %dma_wait3A_29] : memref<10000x64xi32, #tpu.memory_space<hbm>> -> memref<80x64xi32, #tpu.memory_space<hbm>>
    tpu.wait_dma2 semaphore(%arg13 : memref<!tpu.dma_semaphore, #tpu.memory_space<semaphore_mem>>) src(%dma_wait3A_30 : memref<80x64xi32, #tpu.memory_space<hbm>>) dst(%arg8 : memref<80x64xi32, #tpu.memory_space<vmem>>)
    %parallel_loop3A = arith.constant 0 : i32
    %parallel_loop3A_31 = arith.constant 5 : i32
    %parallel_loop3A_32 = arith.constant 1 : i32
    scf.for %parallel_loop3A_33 = %parallel_loop3A to %parallel_loop3A_31 step %parallel_loop3A_32  : i32 {
      %parallel_loop3A_34 = arith.constant 16 : i32
      %parallel_loop3A_35 = arith.muli %parallel_loop3A_33, %parallel_loop3A_34 : i32
      %parallel_loop3A_36 = arith.constant 0.000000e+00 : f32
      %parallel_loop3A_37 = vector.broadcast %parallel_loop3A_36 : f32 to vector<16xf32>
      %parallel_loop3A_38 = arith.constant 0 : i32
      %parallel_loop3A_39 = arith.constant 4 : i32
      %parallel_loop3A_40 = arith.constant 1 : i32
      %parallel_loop3A_41 = scf.for %parallel_loop3A_56 = %parallel_loop3A_38 to %parallel_loop3A_39 step %parallel_loop3A_40 iter_args(%parallel_loop3A_57 = %parallel_loop3A_37) -> (vector<16xf32>)  : i32 {
        %parallel_loop3A_58 = arith.constant 4 : i32
        %parallel_loop3A_59 = arith.muli %parallel_loop3A_58, %parallel_loop3A_56 : i32
        %parallel_loop3A_60 = arith.addi %parallel_loop3A_35, %parallel_loop3A_59 : i32
        %parallel_loop3A_61 = arith.constant 0 : i32
        %parallel_loop3A_62 = arith.addi %parallel_loop3A_60, %parallel_loop3A_61 : i32
        %parallel_loop3A_63 = arith.index_cast %parallel_loop3A_62 : i32 to index
        %parallel_loop3A_64 = arith.constant 0 : index
        %parallel_loop3A_65 = tpu.vector_load %arg7[%parallel_loop3A_63, %parallel_loop3A_64] {strides = array<i32>} : memref<80x64xi32, #tpu.memory_space<vmem>>, vector<16xi32>,
        %parallel_loop3A_66 = arith.constant 16 : i32
        %parallel_loop3A_67 = vector.broadcast %parallel_loop3A_66 : i32 to vector<16xi32>
        %parallel_loop3A_68 = arith.shli %parallel_loop3A_65, %parallel_loop3A_67 : vector<16xi32>
        %parallel_loop3A_69 = vector.bitcast %parallel_loop3A_68 : vector<16xi32> to vector<16xf32>
        %parallel_loop3A_70 = vector.bitcast %parallel_loop3A_65 : vector<16xi32> to vector<16xf32>
        %parallel_loop3A_71 = arith.index_cast %parallel_loop3A_62 : i32 to index
        %parallel_loop3A_72 = arith.constant 0 : index
        %parallel_loop3A_73 = tpu.vector_load %arg8[%parallel_loop3A_71, %parallel_loop3A_72] {strides = array<i32>} : memref<80x64xi32, #tpu.memory_space<vmem>>, vector<16xi32>,
        %parallel_loop3A_74 = arith.constant 16 : i32
        %parallel_loop3A_75 = vector.broadcast %parallel_loop3A_74 : i32 to vector<16xi32>
        %parallel_loop3A_76 = arith.shli %parallel_loop3A_73, %parallel_loop3A_75 : vector<16xi32>
        %parallel_loop3A_77 = vector.bitcast %parallel_loop3A_76 : vector<16xi32> to vector<16xf32>
        %parallel_loop3A_78 = vector.bitcast %parallel_loop3A_73 : vector<16xi32> to vector<16xf32>
        %parallel_loop3A_79 = arith.mulf %parallel_loop3A_69, %parallel_loop3A_77 : vector<16xf32>
        %parallel_loop3A_80 = arith.mulf %parallel_loop3A_70, %parallel_loop3A_78 : vector<16xf32>
        %parallel_loop3A_81 = arith.index_cast %parallel_loop3A_62 : i32 to index
        %parallel_loop3A_82 = arith.constant 16 : index
        %parallel_loop3A_83 = tpu.vector_load %arg7[%parallel_loop3A_81, %parallel_loop3A_82] {strides = array<i32>} : memref<80x64xi32, #tpu.memory_space<vmem>>, vector<16xi32>,
        %parallel_loop3A_84 = arith.constant 16 : i32
        %parallel_loop3A_85 = vector.broadcast %parallel_loop3A_84 : i32 to vector<16xi32>
        %parallel_loop3A_86 = arith.shli %parallel_loop3A_83, %parallel_loop3A_85 : vector<16xi32>
        %parallel_loop3A_87 = vector.bitcast %parallel_loop3A_86 : vector<16xi32> to vector<16xf32>
        %parallel_loop3A_88 = vector.bitcast %parallel_loop3A_83 : vector<16xi32> to vector<16xf32>
        %parallel_loop3A_89 = arith.index_cast %parallel_loop3A_62 : i32 to index
        %parallel_loop3A_90 = arith.constant 16 : index
        %parallel_loop3A_91 = tpu.vector_load %arg8[%parallel_loop3A_89, %parallel_loop3A_90] {strides = array<i32>} : memref<80x64xi32, #tpu.memory_space<vmem>>, vector<16xi32>,
        %parallel_loop3A_92 = arith.constant 16 : i32
        %parallel_loop3A_93 = vector.broadcast %parallel_loop3A_92 : i32 to vector<16xi32>
        %parallel_loop3A_94 = arith.shli %parallel_loop3A_91, %parallel_loop3A_93 : vector<16xi32>
        %parallel_loop3A_95 = vector.bitcast %parallel_loop3A_94 : vector<16xi32> to vector<16xf32>
        %parallel_loop3A_96 = vector.bitcast %parallel_loop3A_91 : vector<16xi32> to vector<16xf32>
        %parallel_loop3A_97 = arith.mulf %parallel_loop3A_87, %parallel_loop3A_95 : vector<16xf32>
        %parallel_loop3A_98 = arith.mulf %parallel_loop3A_88, %parallel_loop3A_96 : vector<16xf32>
        %parallel_loop3A_99 = arith.index_cast %parallel_loop3A_62 : i32 to index
        %parallel_loop3A_100 = arith.constant 32 : index
        %parallel_loop3A_101 = tpu.vector_load %arg7[%parallel_loop3A_99, %parallel_loop3A_100] {strides = array<i32>} : memref<80x64xi32, #tpu.memory_space<vmem>>, vector<16xi32>,
        %parallel_loop3A_102 = arith.constant 16 : i32
        %parallel_loop3A_103 = vector.broadcast %parallel_loop3A_102 : i32 to vector<16xi32>
        %parallel_loop3A_104 = arith.shli %parallel_loop3A_101, %parallel_loop3A_103 : vector<16xi32>
        %parallel_loop3A_105 = vector.bitcast %parallel_loop3A_104 : vector<16xi32> to vector<16xf32>
        %parallel_loop3A_106 = vector.bitcast %parallel_loop3A_101 : vector<16xi32> to vector<16xf32>
        %parallel_loop3A_107 = arith.index_cast %parallel_loop3A_62 : i32 to index
        %parallel_loop3A_108 = arith.constant 32 : index
        %parallel_loop3A_109 = tpu.vector_load %arg8[%parallel_loop3A_107, %parallel_loop3A_108] {strides = array<i32>} : memref<80x64xi32, #tpu.memory_space<vmem>>, vector<16xi32>,
        %parallel_loop3A_110 = arith.constant 16 : i32
        %parallel_loop3A_111 = vector.broadcast %parallel_loop3A_110 : i32 to vector<16xi32>
        %parallel_loop3A_112 = arith.shli %parallel_loop3A_109, %parallel_loop3A_111 : vector<16xi32>
        %parallel_loop3A_113 = vector.bitcast %parallel_loop3A_112 : vector<16xi32> to vector<16xf32>
        %parallel_loop3A_114 = vector.bitcast %parallel_loop3A_109 : vector<16xi32> to vector<16xf32>
        %parallel_loop3A_115 = arith.mulf %parallel_loop3A_105, %parallel_loop3A_113 : vector<16xf32>
        %parallel_loop3A_116 = arith.mulf %parallel_loop3A_106, %parallel_loop3A_114 : vector<16xf32>
        %parallel_loop3A_117 = arith.index_cast %parallel_loop3A_62 : i32 to index
        %parallel_loop3A_118 = arith.constant 48 : index
        %parallel_loop3A_119 = tpu.vector_load %arg7[%parallel_loop3A_117, %parallel_loop3A_118] {strides = array<i32>} : memref<80x64xi32, #tpu.memory_space<vmem>>, vector<16xi32>,
        %parallel_loop3A_120 = arith.constant 16 : i32
        %parallel_loop3A_121 = vector.broadcast %parallel_loop3A_120 : i32 to vector<16xi32>
        %parallel_loop3A_122 = arith.shli %parallel_loop3A_119, %parallel_loop3A_121 : vector<16xi32>
        %parallel_loop3A_123 = vector.bitcast %parallel_loop3A_122 : vector<16xi32> to vector<16xf32>
        %parallel_loop3A_124 = vector.bitcast %parallel_loop3A_119 : vector<16xi32> to vector<16xf32>
        %parallel_loop3A_125 = arith.index_cast %parallel_loop3A_62 : i32 to index
        %parallel_loop3A_126 = arith.constant 48 : index
        %parallel_loop3A_127 = tpu.vector_load %arg8[%parallel_loop3A_125, %parallel_loop3A_126] {strides = array<i32>} : memref<80x64xi32, #tpu.memory_space<vmem>>, vector<16xi32>,
        %parallel_loop3A_128 = arith.constant 16 : i32
        %parallel_loop3A_129 = vector.broadcast %parallel_loop3A_128 : i32 to vector<16xi32>
        %parallel_loop3A_130 = arith.shli %parallel_loop3A_127, %parallel_loop3A_129 : vector<16xi32>
        %parallel_loop3A_131 = vector.bitcast %parallel_loop3A_130 : vector<16xi32> to vector<16xf32>
        %parallel_loop3A_132 = vector.bitcast %parallel_loop3A_127 : vector<16xi32> to vector<16xf32>
        %parallel_loop3A_133 = arith.mulf %parallel_loop3A_123, %parallel_loop3A_131 : vector<16xf32>
        %parallel_loop3A_134 = arith.mulf %parallel_loop3A_124, %parallel_loop3A_132 : vector<16xf32>
        %parallel_loop3A_135 = arith.addf %parallel_loop3A_79, %parallel_loop3A_80 : vector<16xf32>
        %parallel_loop3A_136 = arith.addf %parallel_loop3A_97, %parallel_loop3A_98 : vector<16xf32>
        %parallel_loop3A_137 = arith.addf %parallel_loop3A_135, %parallel_loop3A_136 : vector<16xf32>
        %parallel_loop3A_138 = arith.addf %parallel_loop3A_115, %parallel_loop3A_116 : vector<16xf32>
        %parallel_loop3A_139 = arith.addf %parallel_loop3A_133, %parallel_loop3A_134 : vector<16xf32>
        %parallel_loop3A_140 = arith.addf %parallel_loop3A_138, %parallel_loop3A_139 : vector<16xf32>
        %parallel_loop3A_141 = arith.addf %parallel_loop3A_137, %parallel_loop3A_140 : vector<16xf32>
        %parallel_loop3A_142 = arith.constant 4 : i32
        %parallel_loop3A_143 = arith.muli %parallel_loop3A_142, %parallel_loop3A_56 : i32
        %parallel_loop3A_144 = arith.addi %parallel_loop3A_35, %parallel_loop3A_143 : i32
        %parallel_loop3A_145 = arith.constant 1 : i32
        %parallel_loop3A_146 = arith.addi %parallel_loop3A_144, %parallel_loop3A_145 : i32
        %parallel_loop3A_147 = arith.index_cast %parallel_loop3A_146 : i32 to index
        %parallel_loop3A_148 = arith.constant 0 : index
        %parallel_loop3A_149 = tpu.vector_load %arg7[%parallel_loop3A_147, %parallel_loop3A_148] {strides = array<i32>} : memref<80x64xi32, #tpu.memory_space<vmem>>, vector<16xi32>,
        %parallel_loop3A_150 = arith.constant 16 : i32
        %parallel_loop3A_151 = vector.broadcast %parallel_loop3A_150 : i32 to vector<16xi32>
        %parallel_loop3A_152 = arith.shli %parallel_loop3A_149, %parallel_loop3A_151 : vector<16xi32>
        %parallel_loop3A_153 = vector.bitcast %parallel_loop3A_152 : vector<16xi32> to vector<16xf32>
        %parallel_loop3A_154 = vector.bitcast %parallel_loop3A_149 : vector<16xi32> to vector<16xf32>
        %parallel_loop3A_155 = arith.index_cast %parallel_loop3A_146 : i32 to index
        %parallel_loop3A_156 = arith.constant 0 : index
        %parallel_loop3A_157 = tpu.vector_load %arg8[%parallel_loop3A_155, %parallel_loop3A_156] {strides = array<i32>} : memref<80x64xi32, #tpu.memory_space<vmem>>, vector<16xi32>,
        %parallel_loop3A_158 = arith.constant 16 : i32
        %parallel_loop3A_159 = vector.broadcast %parallel_loop3A_158 : i32 to vector<16xi32>
        %parallel_loop3A_160 = arith.shli %parallel_loop3A_157, %parallel_loop3A_159 : vector<16xi32>
        %parallel_loop3A_161 = vector.bitcast %parallel_loop3A_160 : vector<16xi32> to vector<16xf32>
        %parallel_loop3A_162 = vector.bitcast %parallel_loop3A_157 : vector<16xi32> to vector<16xf32>
        %parallel_loop3A_163 = arith.mulf %parallel_loop3A_153, %parallel_loop3A_161 : vector<16xf32>
        %parallel_loop3A_164 = arith.mulf %parallel_loop3A_154, %parallel_loop3A_162 : vector<16xf32>
        %parallel_loop3A_165 = arith.index_cast %parallel_loop3A_146 : i32 to index
        %parallel_loop3A_166 = arith.constant 16 : index
        %parallel_loop3A_167 = tpu.vector_load %arg7[%parallel_loop3A_165, %parallel_loop3A_166] {strides = array<i32>} : memref<80x64xi32, #tpu.memory_space<vmem>>, vector<16xi32>,
        %parallel_loop3A_168 = arith.constant 16 : i32
        %parallel_loop3A_169 = vector.broadcast %parallel_loop3A_168 : i32 to vector<16xi32>
        %parallel_loop3A_170 = arith.shli %parallel_loop3A_167, %parallel_loop3A_169 : vector<16xi32>
        %parallel_loop3A_171 = vector.bitcast %parallel_loop3A_170 : vector<16xi32> to vector<16xf32>
        %parallel_loop3A_172 = vector.bitcast %parallel_loop3A_167 : vector<16xi32> to vector<16xf32>
        %parallel_loop3A_173 = arith.index_cast %parallel_loop3A_146 : i32 to index
        %parallel_loop3A_174 = arith.constant 16 : index
        %parallel_loop3A_175 = tpu.vector_load %arg8[%parallel_loop3A_173, %parallel_loop3A_174] {strides = array<i32>} : memref<80x64xi32, #tpu.memory_space<vmem>>, vector<16xi32>,
        %parallel_loop3A_176 = arith.constant 16 : i32
        %parallel_loop3A_177 = vector.broadcast %parallel_loop3A_176 : i32 to vector<16xi32>
        %parallel_loop3A_178 = arith.shli %parallel_loop3A_175, %parallel_loop3A_177 : vector<16xi32>
        %parallel_loop3A_179 = vector.bitcast %parallel_loop3A_178 : vector<16xi32> to vector<16xf32>
        %parallel_loop3A_180 = vector.bitcast %parallel_loop3A_175 : vector<16xi32> to vector<16xf32>
        %parallel_loop3A_181 = arith.mulf %parallel_loop3A_171, %parallel_loop3A_179 : vector<16xf32>
        %parallel_loop3A_182 = arith.mulf %parallel_loop3A_172, %parallel_loop3A_180 : vector<16xf32>
        %parallel_loop3A_183 = arith.index_cast %parallel_loop3A_146 : i32 to index
        %parallel_loop3A_184 = arith.constant 32 : index
        %parallel_loop3A_185 = tpu.vector_load %arg7[%parallel_loop3A_183, %parallel_loop3A_184] {strides = array<i32>} : memref<80x64xi32, #tpu.memory_space<vmem>>, vector<16xi32>,
        %parallel_loop3A_186 = arith.constant 16 : i32
        %parallel_loop3A_187 = vector.broadcast %parallel_loop3A_186 : i32 to vector<16xi32>
        %parallel_loop3A_188 = arith.shli %parallel_loop3A_185, %parallel_loop3A_187 : vector<16xi32>
        %parallel_loop3A_189 = vector.bitcast %parallel_loop3A_188 : vector<16xi32> to vector<16xf32>
        %parallel_loop3A_190 = vector.bitcast %parallel_loop3A_185 : vector<16xi32> to vector<16xf32>
        %parallel_loop3A_191 = arith.index_cast %parallel_loop3A_146 : i32 to index
        %parallel_loop3A_192 = arith.constant 32 : index
        %parallel_loop3A_193 = tpu.vector_load %arg8[%parallel_loop3A_191, %parallel_loop3A_192] {strides = array<i32>} : memref<80x64xi32, #tpu.memory_space<vmem>>, vector<16xi32>,
        %parallel_loop3A_194 = arith.constant 16 : i32
        %parallel_loop3A_195 = vector.broadcast %parallel_loop3A_194 : i32 to vector<16xi32>
        %parallel_loop3A_196 = arith.shli %parallel_loop3A_193, %parallel_loop3A_195 : vector<16xi32>
        %parallel_loop3A_197 = vector.bitcast %parallel_loop3A_196 : vector<16xi32> to vector<16xf32>
        %parallel_loop3A_198 = vector.bitcast %parallel_loop3A_193 : vector<16xi32> to vector<16xf32>
        %parallel_loop3A_199 = arith.mulf %parallel_loop3A_189, %parallel_loop3A_197 : vector<16xf32>
        %parallel_loop3A_200 = arith.mulf %parallel_loop3A_190, %parallel_loop3A_198 : vector<16xf32>
        %parallel_loop3A_201 = arith.index_cast %parallel_loop3A_146 : i32 to index
        %parallel_loop3A_202 = arith.constant 48 : index
        %parallel_loop3A_203 = tpu.vector_load %arg7[%parallel_loop3A_201, %parallel_loop3A_202] {strides = array<i32>} : memref<80x64xi32, #tpu.memory_space<vmem>>, vector<16xi32>,
        %parallel_loop3A_204 = arith.constant 16 : i32
        %parallel_loop3A_205 = vector.broadcast %parallel_loop3A_204 : i32 to vector<16xi32>
        %parallel_loop3A_206 = arith.shli %parallel_loop3A_203, %parallel_loop3A_205 : vector<16xi32>
        %parallel_loop3A_207 = vector.bitcast %parallel_loop3A_206 : vector<16xi32> to vector<16xf32>
        %parallel_loop3A_208 = vector.bitcast %parallel_loop3A_203 : vector<16xi32> to vector<16xf32>
        %parallel_loop3A_209 = arith.index_cast %parallel_loop3A_146 : i32 to index
        %parallel_loop3A_210 = arith.constant 48 : index
        %parallel_loop3A_211 = tpu.vector_load %arg8[%parallel_loop3A_209, %parallel_loop3A_210] {strides = array<i32>} : memref<80x64xi32, #tpu.memory_space<vmem>>, vector<16xi32>,
        %parallel_loop3A_212 = arith.constant 16 : i32
        %parallel_loop3A_213 = vector.broadcast %parallel_loop3A_212 : i32 to vector<16xi32>
        %parallel_loop3A_214 = arith.shli %parallel_loop3A_211, %parallel_loop3A_213 : vector<16xi32>
        %parallel_loop3A_215 = vector.bitcast %parallel_loop3A_214 : vector<16xi32> to vector<16xf32>
        %parallel_loop3A_216 = vector.bitcast %parallel_loop3A_211 : vector<16xi32> to vector<16xf32>
        %parallel_loop3A_217 = arith.mulf %parallel_loop3A_207, %parallel_loop3A_215 : vector<16xf32>
        %parallel_loop3A_218 = arith.mulf %parallel_loop3A_208, %parallel_loop3A_216 : vector<16xf32>
        %parallel_loop3A_219 = arith.addf %parallel_loop3A_163, %parallel_loop3A_164 : vector<16xf32>
        %parallel_loop3A_220 = arith.addf %parallel_loop3A_181, %parallel_loop3A_182 : vector<16xf32>
        %parallel_loop3A_221 = arith.addf %parallel_loop3A_219, %parallel_loop3A_220 : vector<16xf32>
        %parallel_loop3A_222 = arith.addf %parallel_loop3A_199, %parallel_loop3A_200 : vector<16xf32>
        %parallel_loop3A_223 = arith.addf %parallel_loop3A_217, %parallel_loop3A_218 : vector<16xf32>
        %parallel_loop3A_224 = arith.addf %parallel_loop3A_222, %parallel_loop3A_223 : vector<16xf32>
        %parallel_loop3A_225 = arith.addf %parallel_loop3A_221, %parallel_loop3A_224 : vector<16xf32>
        %parallel_loop3A_226 = arith.constant 4 : i32
        %parallel_loop3A_227 = arith.muli %parallel_loop3A_226, %parallel_loop3A_56 : i32
        %parallel_loop3A_228 = arith.addi %parallel_loop3A_35, %parallel_loop3A_227 : i32
        %parallel_loop3A_229 = arith.constant 2 : i32
        %parallel_loop3A_230 = arith.addi %parallel_loop3A_228, %parallel_loop3A_229 : i32
        %parallel_loop3A_231 = arith.index_cast %parallel_loop3A_230 : i32 to index
        %parallel_loop3A_232 = arith.constant 0 : index
        %parallel_loop3A_233 = tpu.vector_load %arg7[%parallel_loop3A_231, %parallel_loop3A_232] {strides = array<i32>} : memref<80x64xi32, #tpu.memory_space<vmem>>, vector<16xi32>,
        %parallel_loop3A_234 = arith.constant 16 : i32
        %parallel_loop3A_235 = vector.broadcast %parallel_loop3A_234 : i32 to vector<16xi32>
        %parallel_loop3A_236 = arith.shli %parallel_loop3A_233, %parallel_loop3A_235 : vector<16xi32>
        %parallel_loop3A_237 = vector.bitcast %parallel_loop3A_236 : vector<16xi32> to vector<16xf32>
        %parallel_loop3A_238 = vector.bitcast %parallel_loop3A_233 : vector<16xi32> to vector<16xf32>
        %parallel_loop3A_239 = arith.index_cast %parallel_loop3A_230 : i32 to index
        %parallel_loop3A_240 = arith.constant 0 : index
        %parallel_loop3A_241 = tpu.vector_load %arg8[%parallel_loop3A_239, %parallel_loop3A_240] {strides = array<i32>} : memref<80x64xi32, #tpu.memory_space<vmem>>, vector<16xi32>,
        %parallel_loop3A_242 = arith.constant 16 : i32
        %parallel_loop3A_243 = vector.broadcast %parallel_loop3A_242 : i32 to vector<16xi32>
        %parallel_loop3A_244 = arith.shli %parallel_loop3A_241, %parallel_loop3A_243 : vector<16xi32>
        %parallel_loop3A_245 = vector.bitcast %parallel_loop3A_244 : vector<16xi32> to vector<16xf32>
        %parallel_loop3A_246 = vector.bitcast %parallel_loop3A_241 : vector<16xi32> to vector<16xf32>
        %parallel_loop3A_247 = arith.mulf %parallel_loop3A_237, %parallel_loop3A_245 : vector<16xf32>
        %parallel_loop3A_248 = arith.mulf %parallel_loop3A_238, %parallel_loop3A_246 : vector<16xf32>
        %parallel_loop3A_249 = arith.index_cast %parallel_loop3A_230 : i32 to index
        %parallel_loop3A_250 = arith.constant 16 : index
        %parallel_loop3A_251 = tpu.vector_load %arg7[%parallel_loop3A_249, %parallel_loop3A_250] {strides = array<i32>} : memref<80x64xi32, #tpu.memory_space<vmem>>, vector<16xi32>,
        %parallel_loop3A_252 = arith.constant 16 : i32
        %parallel_loop3A_253 = vector.broadcast %parallel_loop3A_252 : i32 to vector<16xi32>
        %parallel_loop3A_254 = arith.shli %parallel_loop3A_251, %parallel_loop3A_253 : vector<16xi32>
        %parallel_loop3A_255 = vector.bitcast %parallel_loop3A_254 : vector<16xi32> to vector<16xf32>
        %parallel_loop3A_256 = vector.bitcast %parallel_loop3A_251 : vector<16xi32> to vector<16xf32>
        %parallel_loop3A_257 = arith.index_cast %parallel_loop3A_230 : i32 to index
        %parallel_loop3A_258 = arith.constant 16 : index
        %parallel_loop3A_259 = tpu.vector_load %arg8[%parallel_loop3A_257, %parallel_loop3A_258] {strides = array<i32>} : memref<80x64xi32, #tpu.memory_space<vmem>>, vector<16xi32>,
        %parallel_loop3A_260 = arith.constant 16 : i32
        %parallel_loop3A_261 = vector.broadcast %parallel_loop3A_260 : i32 to vector<16xi32>
        %parallel_loop3A_262 = arith.shli %parallel_loop3A_259, %parallel_loop3A_261 : vector<16xi32>
        %parallel_loop3A_263 = vector.bitcast %parallel_loop3A_262 : vector<16xi32> to vector<16xf32>
        %parallel_loop3A_264 = vector.bitcast %parallel_loop3A_259 : vector<16xi32> to vector<16xf32>
        %parallel_loop3A_265 = arith.mulf %parallel_loop3A_255, %parallel_loop3A_263 : vector<16xf32>
        %parallel_loop3A_266 = arith.mulf %parallel_loop3A_256, %parallel_loop3A_264 : vector<16xf32>
        %parallel_loop3A_267 = arith.index_cast %parallel_loop3A_230 : i32 to index
        %parallel_loop3A_268 = arith.constant 32 : index
        %parallel_loop3A_269 = tpu.vector_load %arg7[%parallel_loop3A_267, %parallel_loop3A_268] {strides = array<i32>} : memref<80x64xi32, #tpu.memory_space<vmem>>, vector<16xi32>,
        %parallel_loop3A_270 = arith.constant 16 : i32
        %parallel_loop3A_271 = vector.broadcast %parallel_loop3A_270 : i32 to vector<16xi32>
        %parallel_loop3A_272 = arith.shli %parallel_loop3A_269, %parallel_loop3A_271 : vector<16xi32>
        %parallel_loop3A_273 = vector.bitcast %parallel_loop3A_272 : vector<16xi32> to vector<16xf32>
        %parallel_loop3A_274 = vector.bitcast %parallel_loop3A_269 : vector<16xi32> to vector<16xf32>
        %parallel_loop3A_275 = arith.index_cast %parallel_loop3A_230 : i32 to index
        %parallel_loop3A_276 = arith.constant 32 : index
        %parallel_loop3A_277 = tpu.vector_load %arg8[%parallel_loop3A_275, %parallel_loop3A_276] {strides = array<i32>} : memref<80x64xi32, #tpu.memory_space<vmem>>, vector<16xi32>,
        %parallel_loop3A_278 = arith.constant 16 : i32
        %parallel_loop3A_279 = vector.broadcast %parallel_loop3A_278 : i32 to vector<16xi32>
        %parallel_loop3A_280 = arith.shli %parallel_loop3A_277, %parallel_loop3A_279 : vector<16xi32>
        %parallel_loop3A_281 = vector.bitcast %parallel_loop3A_280 : vector<16xi32> to vector<16xf32>
        %parallel_loop3A_282 = vector.bitcast %parallel_loop3A_277 : vector<16xi32> to vector<16xf32>
        %parallel_loop3A_283 = arith.mulf %parallel_loop3A_273, %parallel_loop3A_281 : vector<16xf32>
        %parallel_loop3A_284 = arith.mulf %parallel_loop3A_274, %parallel_loop3A_282 : vector<16xf32>
        %parallel_loop3A_285 = arith.index_cast %parallel_loop3A_230 : i32 to index
        %parallel_loop3A_286 = arith.constant 48 : index
        %parallel_loop3A_287 = tpu.vector_load %arg7[%parallel_loop3A_285, %parallel_loop3A_286] {strides = array<i32>} : memref<80x64xi32, #tpu.memory_space<vmem>>, vector<16xi32>,
        %parallel_loop3A_288 = arith.constant 16 : i32
        %parallel_loop3A_289 = vector.broadcast %parallel_loop3A_288 : i32 to vector<16xi32>
        %parallel_loop3A_290 = arith.shli %parallel_loop3A_287, %parallel_loop3A_289 : vector<16xi32>
        %parallel_loop3A_291 = vector.bitcast %parallel_loop3A_290 : vector<16xi32> to vector<16xf32>
        %parallel_loop3A_292 = vector.bitcast %parallel_loop3A_287 : vector<16xi32> to vector<16xf32>
        %parallel_loop3A_293 = arith.index_cast %parallel_loop3A_230 : i32 to index
        %parallel_loop3A_294 = arith.constant 48 : index
        %parallel_loop3A_295 = tpu.vector_load %arg8[%parallel_loop3A_293, %parallel_loop3A_294] {strides = array<i32>} : memref<80x64xi32, #tpu.memory_space<vmem>>, vector<16xi32>,
        %parallel_loop3A_296 = arith.constant 16 : i32
        %parallel_loop3A_297 = vector.broadcast %parallel_loop3A_296 : i32 to vector<16xi32>
        %parallel_loop3A_298 = arith.shli %parallel_loop3A_295, %parallel_loop3A_297 : vector<16xi32>
        %parallel_loop3A_299 = vector.bitcast %parallel_loop3A_298 : vector<16xi32> to vector<16xf32>
        %parallel_loop3A_300 = vector.bitcast %parallel_loop3A_295 : vector<16xi32> to vector<16xf32>
        %parallel_loop3A_301 = arith.mulf %parallel_loop3A_291, %parallel_loop3A_299 : vector<16xf32>
        %parallel_loop3A_302 = arith.mulf %parallel_loop3A_292, %parallel_loop3A_300 : vector<16xf32>
        %parallel_loop3A_303 = arith.addf %parallel_loop3A_247, %parallel_loop3A_248 : vector<16xf32>
        %parallel_loop3A_304 = arith.addf %parallel_loop3A_265, %parallel_loop3A_266 : vector<16xf32>
        %parallel_loop3A_305 = arith.addf %parallel_loop3A_303, %parallel_loop3A_304 : vector<16xf32>
        %parallel_loop3A_306 = arith.addf %parallel_loop3A_283, %parallel_loop3A_284 : vector<16xf32>
        %parallel_loop3A_307 = arith.addf %parallel_loop3A_301, %parallel_loop3A_302 : vector<16xf32>
        %parallel_loop3A_308 = arith.addf %parallel_loop3A_306, %parallel_loop3A_307 : vector<16xf32>
        %parallel_loop3A_309 = arith.addf %parallel_loop3A_305, %parallel_loop3A_308 : vector<16xf32>
        %parallel_loop3A_310 = arith.constant 4 : i32
        %parallel_loop3A_311 = arith.muli %parallel_loop3A_310, %parallel_loop3A_56 : i32
        %parallel_loop3A_312 = arith.addi %parallel_loop3A_35, %parallel_loop3A_311 : i32
        %parallel_loop3A_313 = arith.constant 3 : i32
        %parallel_loop3A_314 = arith.addi %parallel_loop3A_312, %parallel_loop3A_313 : i32
        %parallel_loop3A_315 = arith.index_cast %parallel_loop3A_314 : i32 to index
        %parallel_loop3A_316 = arith.constant 0 : index
        %parallel_loop3A_317 = tpu.vector_load %arg7[%parallel_loop3A_315, %parallel_loop3A_316] {strides = array<i32>} : memref<80x64xi32, #tpu.memory_space<vmem>>, vector<16xi32>,
        %parallel_loop3A_318 = arith.constant 16 : i32
        %parallel_loop3A_319 = vector.broadcast %parallel_loop3A_318 : i32 to vector<16xi32>
        %parallel_loop3A_320 = arith.shli %parallel_loop3A_317, %parallel_loop3A_319 : vector<16xi32>
        %parallel_loop3A_321 = vector.bitcast %parallel_loop3A_320 : vector<16xi32> to vector<16xf32>
        %parallel_loop3A_322 = vector.bitcast %parallel_loop3A_317 : vector<16xi32> to vector<16xf32>
        %parallel_loop3A_323 = arith.index_cast %parallel_loop3A_314 : i32 to index
        %parallel_loop3A_324 = arith.constant 0 : index
        %parallel_loop3A_325 = tpu.vector_load %arg8[%parallel_loop3A_323, %parallel_loop3A_324] {strides = array<i32>} : memref<80x64xi32, #tpu.memory_space<vmem>>, vector<16xi32>,
        %parallel_loop3A_326 = arith.constant 16 : i32
        %parallel_loop3A_327 = vector.broadcast %parallel_loop3A_326 : i32 to vector<16xi32>
        %parallel_loop3A_328 = arith.shli %parallel_loop3A_325, %parallel_loop3A_327 : vector<16xi32>
        %parallel_loop3A_329 = vector.bitcast %parallel_loop3A_328 : vector<16xi32> to vector<16xf32>
        %parallel_loop3A_330 = vector.bitcast %parallel_loop3A_325 : vector<16xi32> to vector<16xf32>
        %parallel_loop3A_331 = arith.mulf %parallel_loop3A_321, %parallel_loop3A_329 : vector<16xf32>
        %parallel_loop3A_332 = arith.mulf %parallel_loop3A_322, %parallel_loop3A_330 : vector<16xf32>
        %parallel_loop3A_333 = arith.index_cast %parallel_loop3A_314 : i32 to index
        %parallel_loop3A_334 = arith.constant 16 : index
        %parallel_loop3A_335 = tpu.vector_load %arg7[%parallel_loop3A_333, %parallel_loop3A_334] {strides = array<i32>} : memref<80x64xi32, #tpu.memory_space<vmem>>, vector<16xi32>,
        %parallel_loop3A_336 = arith.constant 16 : i32
        %parallel_loop3A_337 = vector.broadcast %parallel_loop3A_336 : i32 to vector<16xi32>
        %parallel_loop3A_338 = arith.shli %parallel_loop3A_335, %parallel_loop3A_337 : vector<16xi32>
        %parallel_loop3A_339 = vector.bitcast %parallel_loop3A_338 : vector<16xi32> to vector<16xf32>
        %parallel_loop3A_340 = vector.bitcast %parallel_loop3A_335 : vector<16xi32> to vector<16xf32>
        %parallel_loop3A_341 = arith.index_cast %parallel_loop3A_314 : i32 to index
        %parallel_loop3A_342 = arith.constant 16 : index
        %parallel_loop3A_343 = tpu.vector_load %arg8[%parallel_loop3A_341, %parallel_loop3A_342] {strides = array<i32>} : memref<80x64xi32, #tpu.memory_space<vmem>>, vector<16xi32>,
        %parallel_loop3A_344 = arith.constant 16 : i32
        %parallel_loop3A_345 = vector.broadcast %parallel_loop3A_344 : i32 to vector<16xi32>
        %parallel_loop3A_346 = arith.shli %parallel_loop3A_343, %parallel_loop3A_345 : vector<16xi32>
        %parallel_loop3A_347 = vector.bitcast %parallel_loop3A_346 : vector<16xi32> to vector<16xf32>
        %parallel_loop3A_348 = vector.bitcast %parallel_loop3A_343 : vector<16xi32> to vector<16xf32>
        %parallel_loop3A_349 = arith.mulf %parallel_loop3A_339, %parallel_loop3A_347 : vector<16xf32>
        %parallel_loop3A_350 = arith.mulf %parallel_loop3A_340, %parallel_loop3A_348 : vector<16xf32>
        %parallel_loop3A_351 = arith.index_cast %parallel_loop3A_314 : i32 to index
        %parallel_loop3A_352 = arith.constant 32 : index
        %parallel_loop3A_353 = tpu.vector_load %arg7[%parallel_loop3A_351, %parallel_loop3A_352] {strides = array<i32>} : memref<80x64xi32, #tpu.memory_space<vmem>>, vector<16xi32>,
        %parallel_loop3A_354 = arith.constant 16 : i32
        %parallel_loop3A_355 = vector.broadcast %parallel_loop3A_354 : i32 to vector<16xi32>
        %parallel_loop3A_356 = arith.shli %parallel_loop3A_353, %parallel_loop3A_355 : vector<16xi32>
        %parallel_loop3A_357 = vector.bitcast %parallel_loop3A_356 : vector<16xi32> to vector<16xf32>
        %parallel_loop3A_358 = vector.bitcast %parallel_loop3A_353 : vector<16xi32> to vector<16xf32>
        %parallel_loop3A_359 = arith.index_cast %parallel_loop3A_314 : i32 to index
        %parallel_loop3A_360 = arith.constant 32 : index
        %parallel_loop3A_361 = tpu.vector_load %arg8[%parallel_loop3A_359, %parallel_loop3A_360] {strides = array<i32>} : memref<80x64xi32, #tpu.memory_space<vmem>>, vector<16xi32>,
        %parallel_loop3A_362 = arith.constant 16 : i32
        %parallel_loop3A_363 = vector.broadcast %parallel_loop3A_362 : i32 to vector<16xi32>
        %parallel_loop3A_364 = arith.shli %parallel_loop3A_361, %parallel_loop3A_363 : vector<16xi32>
        %parallel_loop3A_365 = vector.bitcast %parallel_loop3A_364 : vector<16xi32> to vector<16xf32>
        %parallel_loop3A_366 = vector.bitcast %parallel_loop3A_361 : vector<16xi32> to vector<16xf32>
        %parallel_loop3A_367 = arith.mulf %parallel_loop3A_357, %parallel_loop3A_365 : vector<16xf32>
        %parallel_loop3A_368 = arith.mulf %parallel_loop3A_358, %parallel_loop3A_366 : vector<16xf32>
        %parallel_loop3A_369 = arith.index_cast %parallel_loop3A_314 : i32 to index
        %parallel_loop3A_370 = arith.constant 48 : index
        %parallel_loop3A_371 = tpu.vector_load %arg7[%parallel_loop3A_369, %parallel_loop3A_370] {strides = array<i32>} : memref<80x64xi32, #tpu.memory_space<vmem>>, vector<16xi32>,
        %parallel_loop3A_372 = arith.constant 16 : i32
        %parallel_loop3A_373 = vector.broadcast %parallel_loop3A_372 : i32 to vector<16xi32>
        %parallel_loop3A_374 = arith.shli %parallel_loop3A_371, %parallel_loop3A_373 : vector<16xi32>
        %parallel_loop3A_375 = vector.bitcast %parallel_loop3A_374 : vector<16xi32> to vector<16xf32>
        %parallel_loop3A_376 = vector.bitcast %parallel_loop3A_371 : vector<16xi32> to vector<16xf32>
        %parallel_loop3A_377 = arith.index_cast %parallel_loop3A_314 : i32 to index
        %parallel_loop3A_378 = arith.constant 48 : index
        %parallel_loop3A_379 = tpu.vector_load %arg8[%parallel_loop3A_377, %parallel_loop3A_378] {strides = array<i32>} : memref<80x64xi32, #tpu.memory_space<vmem>>, vector<16xi32>,
        %parallel_loop3A_380 = arith.constant 16 : i32
        %parallel_loop3A_381 = vector.broadcast %parallel_loop3A_380 : i32 to vector<16xi32>
        %parallel_loop3A_382 = arith.shli %parallel_loop3A_379, %parallel_loop3A_381 : vector<16xi32>
        %parallel_loop3A_383 = vector.bitcast %parallel_loop3A_382 : vector<16xi32> to vector<16xf32>
        %parallel_loop3A_384 = vector.bitcast %parallel_loop3A_379 : vector<16xi32> to vector<16xf32>
        %parallel_loop3A_385 = arith.mulf %parallel_loop3A_375, %parallel_loop3A_383 : vector<16xf32>
        %parallel_loop3A_386 = arith.mulf %parallel_loop3A_376, %parallel_loop3A_384 : vector<16xf32>
        %parallel_loop3A_387 = arith.addf %parallel_loop3A_331, %parallel_loop3A_332 : vector<16xf32>
        %parallel_loop3A_388 = arith.addf %parallel_loop3A_349, %parallel_loop3A_350 : vector<16xf32>
        %parallel_loop3A_389 = arith.addf %parallel_loop3A_387, %parallel_loop3A_388 : vector<16xf32>
        %parallel_loop3A_390 = arith.addf %parallel_loop3A_367, %parallel_loop3A_368 : vector<16xf32>
        %parallel_loop3A_391 = arith.addf %parallel_loop3A_385, %parallel_loop3A_386 : vector<16xf32>
        %parallel_loop3A_392 = arith.addf %parallel_loop3A_390, %parallel_loop3A_391 : vector<16xf32>
        %parallel_loop3A_393 = arith.addf %parallel_loop3A_389, %parallel_loop3A_392 : vector<16xf32>
        %parallel_loop3A_394 = arith.constant 8 : i32
        %parallel_loop3A_395 = vector.broadcast %parallel_loop3A_394 : i32 to vector<16xi32>
        %parallel_loop3A_396 = arith.xori %iota3A, %parallel_loop3A_395 : vector<16xi32>
        %parallel_loop3A_397 = vector.shape_cast %parallel_loop3A_396 : vector<16xi32> to vector<16x1xi32>
        %parallel_loop3A_398 = vector.shape_cast %parallel_loop3A_397 : vector<16x1xi32> to vector<16xi32>
        %parallel_loop3A_399 = tpu.dynamic_gather %parallel_loop3A_141[%parallel_loop3A_398] in [0] : vector<16xf32>, vector<16xi32> -> vector<16xf32>
        %parallel_loop3A_400 = arith.addf %parallel_loop3A_141, %parallel_loop3A_399 : vector<16xf32>
        %parallel_loop3A_401 = arith.constant 8 : i32
        %parallel_loop3A_402 = vector.broadcast %parallel_loop3A_401 : i32 to vector<16xi32>
        %parallel_loop3A_403 = arith.xori %iota3A, %parallel_loop3A_402 : vector<16xi32>
        %parallel_loop3A_404 = vector.shape_cast %parallel_loop3A_403 : vector<16xi32> to vector<16x1xi32>
        %parallel_loop3A_405 = vector.shape_cast %parallel_loop3A_404 : vector<16x1xi32> to vector<16xi32>
        %parallel_loop3A_406 = tpu.dynamic_gather %parallel_loop3A_225[%parallel_loop3A_405] in [0] : vector<16xf32>, vector<16xi32> -> vector<16xf32>
        %parallel_loop3A_407 = arith.addf %parallel_loop3A_225, %parallel_loop3A_406 : vector<16xf32>
        %parallel_loop3A_408 = arith.constant 8 : i32
        %parallel_loop3A_409 = vector.broadcast %parallel_loop3A_408 : i32 to vector<16xi32>
        %parallel_loop3A_410 = arith.xori %iota3A, %parallel_loop3A_409 : vector<16xi32>
        %parallel_loop3A_411 = vector.shape_cast %parallel_loop3A_410 : vector<16xi32> to vector<16x1xi32>
        %parallel_loop3A_412 = vector.shape_cast %parallel_loop3A_411 : vector<16x1xi32> to vector<16xi32>
        %parallel_loop3A_413 = tpu.dynamic_gather %parallel_loop3A_309[%parallel_loop3A_412] in [0] : vector<16xf32>, vector<16xi32> -> vector<16xf32>
        %parallel_loop3A_414 = arith.addf %parallel_loop3A_309, %parallel_loop3A_413 : vector<16xf32>
        %parallel_loop3A_415 = arith.constant 8 : i32
        %parallel_loop3A_416 = vector.broadcast %parallel_loop3A_415 : i32 to vector<16xi32>
        %parallel_loop3A_417 = arith.xori %iota3A, %parallel_loop3A_416 : vector<16xi32>
        %parallel_loop3A_418 = vector.shape_cast %parallel_loop3A_417 : vector<16xi32> to vector<16x1xi32>
        %parallel_loop3A_419 = vector.shape_cast %parallel_loop3A_418 : vector<16x1xi32> to vector<16xi32>
        %parallel_loop3A_420 = tpu.dynamic_gather %parallel_loop3A_393[%parallel_loop3A_419] in [0] : vector<16xf32>, vector<16xi32> -> vector<16xf32>
        %parallel_loop3A_421 = arith.addf %parallel_loop3A_393, %parallel_loop3A_420 : vector<16xf32>
        %parallel_loop3A_422 = arith.constant 8 : i32
        %parallel_loop3A_423 = vector.broadcast %parallel_loop3A_422 : i32 to vector<16xi32>
        %parallel_loop3A_424 = arith.cmpi slt, %iota3A, %parallel_loop3A_423 : vector<16xi32>
        %parallel_loop3A_425 = arith.select %parallel_loop3A_424, %parallel_loop3A_400, %parallel_loop3A_407 : vector<16xi1>, vector<16xf32>
        %parallel_loop3A_426 = arith.constant 8 : i32
        %parallel_loop3A_427 = vector.broadcast %parallel_loop3A_426 : i32 to vector<16xi32>
        %parallel_loop3A_428 = arith.cmpi slt, %iota3A, %parallel_loop3A_427 : vector<16xi32>
        %parallel_loop3A_429 = arith.select %parallel_loop3A_428, %parallel_loop3A_414, %parallel_loop3A_421 : vector<16xi1>, vector<16xf32>
        %parallel_loop3A_430 = arith.constant 4 : i32
        %parallel_loop3A_431 = vector.broadcast %parallel_loop3A_430 : i32 to vector<16xi32>
        %parallel_loop3A_432 = arith.xori %iota3A, %parallel_loop3A_431 : vector<16xi32>
        %parallel_loop3A_433 = vector.shape_cast %parallel_loop3A_432 : vector<16xi32> to vector<16x1xi32>
        %parallel_loop3A_434 = vector.shape_cast %parallel_loop3A_433 : vector<16x1xi32> to vector<16xi32>
        %parallel_loop3A_435 = tpu.dynamic_gather %parallel_loop3A_425[%parallel_loop3A_434] in [0] : vector<16xf32>, vector<16xi32> -> vector<16xf32>
        %parallel_loop3A_436 = arith.addf %parallel_loop3A_425, %parallel_loop3A_435 : vector<16xf32>
        %parallel_loop3A_437 = arith.constant 4 : i32
        %parallel_loop3A_438 = vector.broadcast %parallel_loop3A_437 : i32 to vector<16xi32>
        %parallel_loop3A_439 = arith.xori %iota3A, %parallel_loop3A_438 : vector<16xi32>
        %parallel_loop3A_440 = vector.shape_cast %parallel_loop3A_439 : vector<16xi32> to vector<16x1xi32>
        %parallel_loop3A_441 = vector.shape_cast %parallel_loop3A_440 : vector<16x1xi32> to vector<16xi32>
        %parallel_loop3A_442 = tpu.dynamic_gather %parallel_loop3A_429[%parallel_loop3A_441] in [0] : vector<16xf32>, vector<16xi32> -> vector<16xf32>
        %parallel_loop3A_443 = arith.addf %parallel_loop3A_429, %parallel_loop3A_442 : vector<16xf32>
        %parallel_loop3A_444 = arith.constant 4 : i32
        %parallel_loop3A_445 = vector.broadcast %parallel_loop3A_444 : i32 to vector<16xi32>
        %parallel_loop3A_446 = arith.andi %iota3A, %parallel_loop3A_445 : vector<16xi32>
        %parallel_loop3A_447 = arith.constant 0 : i32
        %parallel_loop3A_448 = vector.broadcast %parallel_loop3A_447 : i32 to vector<16xi32>
        %parallel_loop3A_449 = arith.cmpi eq, %parallel_loop3A_446, %parallel_loop3A_448 : vector<16xi32>
        %parallel_loop3A_450 = arith.select %parallel_loop3A_449, %parallel_loop3A_436, %parallel_loop3A_443 : vector<16xi1>, vector<16xf32>
        %parallel_loop3A_451 = arith.constant 2 : i32
        %parallel_loop3A_452 = vector.broadcast %parallel_loop3A_451 : i32 to vector<16xi32>
        %parallel_loop3A_453 = arith.xori %iota3A, %parallel_loop3A_452 : vector<16xi32>
        %parallel_loop3A_454 = vector.shape_cast %parallel_loop3A_453 : vector<16xi32> to vector<16x1xi32>
        %parallel_loop3A_455 = vector.shape_cast %parallel_loop3A_454 : vector<16x1xi32> to vector<16xi32>
        %parallel_loop3A_456 = tpu.dynamic_gather %parallel_loop3A_450[%parallel_loop3A_455] in [0] : vector<16xf32>, vector<16xi32> -> vector<16xf32>
        %parallel_loop3A_457 = arith.addf %parallel_loop3A_450, %parallel_loop3A_456 : vector<16xf32>
        %parallel_loop3A_458 = arith.constant 1 : i32
        %parallel_loop3A_459 = vector.broadcast %parallel_loop3A_458 : i32 to vector<16xi32>
        %parallel_loop3A_460 = arith.xori %iota3A, %parallel_loop3A_459 : vector<16xi32>
        %parallel_loop3A_461 = vector.shape_cast %parallel_loop3A_460 : vector<16xi32> to vector<16x1xi32>
        %parallel_loop3A_462 = vector.shape_cast %parallel_loop3A_461 : vector<16x1xi32> to vector<16xi32>
        %parallel_loop3A_463 = tpu.dynamic_gather %parallel_loop3A_457[%parallel_loop3A_462] in [0] : vector<16xf32>, vector<16xi32> -> vector<16xf32>
        %parallel_loop3A_464 = arith.addf %parallel_loop3A_457, %parallel_loop3A_463 : vector<16xf32>
        %parallel_loop3A_465 = arith.constant 3 : i32
        %parallel_loop3A_466 = vector.broadcast %parallel_loop3A_465 : i32 to vector<16xi32>
        %parallel_loop3A_467 = arith.andi %iota3A, %parallel_loop3A_466 : vector<16xi32>
        %parallel_loop3A_468 = arith.constant 1 : i32
        %parallel_loop3A_469 = vector.broadcast %parallel_loop3A_468 : i32 to vector<16xi32>
        %parallel_loop3A_470 = arith.andi %parallel_loop3A_467, %parallel_loop3A_469 : vector<16xi32>
        %parallel_loop3A_471 = arith.constant 3 : i32
        %parallel_loop3A_472 = vector.broadcast %parallel_loop3A_471 : i32 to vector<16xi32>
        %parallel_loop3A_473 = arith.shli %parallel_loop3A_470, %parallel_loop3A_472 : vector<16xi32>
        %parallel_loop3A_474 = arith.constant 2 : i32
        %parallel_loop3A_475 = vector.broadcast %parallel_loop3A_474 : i32 to vector<16xi32>
        %parallel_loop3A_476 = arith.andi %parallel_loop3A_467, %parallel_loop3A_475 : vector<16xi32>
        %parallel_loop3A_477 = arith.constant 1 : i32
        %parallel_loop3A_478 = vector.broadcast %parallel_loop3A_477 : i32 to vector<16xi32>
        %parallel_loop3A_479 = arith.shli %parallel_loop3A_476, %parallel_loop3A_478 : vector<16xi32>
        %parallel_loop3A_480 = arith.ori %parallel_loop3A_473, %parallel_loop3A_479 : vector<16xi32>
        %parallel_loop3A_481 = vector.shape_cast %parallel_loop3A_480 : vector<16xi32> to vector<16x1xi32>
        %parallel_loop3A_482 = vector.shape_cast %parallel_loop3A_481 : vector<16x1xi32> to vector<16xi32>
        %parallel_loop3A_483 = tpu.dynamic_gather %parallel_loop3A_464[%parallel_loop3A_482] in [0] : vector<16xf32>, vector<16xi32> -> vector<16xf32>
        %parallel_loop3A_484 = arith.constant 2 : i32
        %parallel_loop3A_485 = vector.broadcast %parallel_loop3A_484 : i32 to vector<16xi32>
        %parallel_loop3A_486 = arith.shrsi %iota3A, %parallel_loop3A_485 : vector<16xi32>
        %parallel_loop3A_487 = vector.broadcast %parallel_loop3A_56 : i32 to vector<16xi32>
        %parallel_loop3A_488 = arith.cmpi eq, %parallel_loop3A_486, %parallel_loop3A_487 : vector<16xi32>
        %parallel_loop3A_489 = arith.select %parallel_loop3A_488, %parallel_loop3A_483, %parallel_loop3A_57 : vector<16xi1>, vector<16xf32>
        scf.yield %parallel_loop3A_489 : vector<16xf32>
      } {sc.loop_unroll_factor = 1 : i64, sc.parallel_access}
      %parallel_loop3A_42 = arith.constant 0.000000e+00 : f32
      %parallel_loop3A_43 = vector.broadcast %parallel_loop3A_42 : f32 to vector<16xf32>
      %parallel_loop3A_44 = arith.subf %parallel_loop3A_43, %parallel_loop3A_41 : vector<16xf32>
      %parallel_loop3A_45 = math.exp %parallel_loop3A_44 : vector<16xf32>
      %parallel_loop3A_46 = arith.constant 1.000000e+00 : f32
      %parallel_loop3A_47 = vector.broadcast %parallel_loop3A_46 : f32 to vector<16xf32>
      %parallel_loop3A_48 = arith.addf %parallel_loop3A_47, %parallel_loop3A_45 : vector<16xf32>
      %parallel_loop3A_49 = arith.constant 1.000000e+00 : f32
      %parallel_loop3A_50 = vector.broadcast %parallel_loop3A_49 : f32 to vector<16xf32>
      %parallel_loop3A_51 = arith.divf %parallel_loop3A_50, %parallel_loop3A_48 : vector<16xf32>
      %parallel_loop3A_52 = arith.constant 9920 : i32
      %parallel_loop3A_53 = arith.addi %parallel_loop3A_52, %parallel_loop3A_35 : i32
      %parallel_loop3A_54 = arith.index_cast %parallel_loop3A_53 : i32 to index
      %parallel_loop3A_55 = tpu.vector_load %arg11[%parallel_loop3A_54] {strides = array<i32>} : memref<10000xf32, #tpu.memory_space<vmem>>, vector<16xf32>,
      tpu.vector_store %arg11[%parallel_loop3A_54], %parallel_loop3A_51 {strides = array<i32>} : memref<10000xf32, #tpu.memory_space<vmem>>, vector<16xf32>,
    } {sc.loop_unroll_factor = 1 : i64, sc.parallel_access}
    "tpu.region"() ({
      %run_scoped3A_33 = tpu.sem_alloc : memref<!tpu.dma_semaphore, #tpu.memory_space<semaphore_mem>>
      %dma_start3A_34 = tpu.memref_slice %arg4[%mul3A_2] : memref<320000xf32, #tpu.memory_space<hbm>> -> memref<10000xf32, #tpu.memory_space<hbm>>
      %dma_start3A_35 = tpu.memref_slice %arg4[%mul3A_2] : memref<320000xf32, #tpu.memory_space<hbm>> -> memref<10000xf32, #tpu.memory_space<hbm>>
      tpu.enqueue_dma source(%arg11 : memref<10000xf32, #tpu.memory_space<vmem>>) target(%dma_start3A_35 : memref<10000xf32, #tpu.memory_space<hbm>>) target_semaphore(%run_scoped3A_33 : memref<!tpu.dma_semaphore, #tpu.memory_space<semaphore_mem>>)
      %dma_wait3A_36 = tpu.memref_slice %arg4[%mul3A_2] : memref<320000xf32, #tpu.memory_space<hbm>> -> memref<10000xf32, #tpu.memory_space<hbm>>
      %dma_wait3A_37 = tpu.memref_slice %arg4[%mul3A_2] : memref<320000xf32, #tpu.memory_space<hbm>> -> memref<10000xf32, #tpu.memory_space<hbm>>
      tpu.wait_dma2 semaphore(%run_scoped3A_33 : memref<!tpu.dma_semaphore, #tpu.memory_space<semaphore_mem>>) src(%arg11 : memref<10000xf32, #tpu.memory_space<vmem>>) dst(%dma_wait3A_37 : memref<10000xf32, #tpu.memory_space<hbm>>)
      tpu.yield
    }) : () -> ()
    return
  }
}

</mosaic_0001>

<sc_bundles>
// kernel: kernel.3.cloned.1.call-start
scs
__scs_entry_jumppad:
0x0: {  	(pc) =	sbr.rel $0x88, $3  }
0x1: {  	(tag) =	ssettag $0x0;
	lr =	simm.s32 $0x1  }
0x2: {  	[smem:$0x3F9F] =	sst lr;
	_ =	strace $0xD0000000  }
0x3: {  	_ = 	snop  }
0x4: {  	_ = 	snop  }
0x5: {  	_ = 	snop  }
0x6: {  	_ = 	snop  }
0x7: {  	_ = 	snop  }
__scs_overlays_trampoline_lowered:
0x8: {  	[smem:$0x3FAE] =	sst s0  }
0x9: {  	[smem:$0x3FAF] =	sst s1  }
0xa: {  	[smem:$0x3FB0] =	sst s2  }
0xb: {  	[smem:$0x3FB1] =	sst s3  }
0xc: {  	[smem:$0x3FB2] =	sst s4  }
0xd: {  	[smem:$0x3FB3] =	sst s5  }
0xe: {  	[smem:$0x3FB4] =	sst s6  }
0xf: {  	[smem:$0x3FB5] =	sst s7  }
0x10: {  	[smem:$0x3FB6] =	sst s8  }
0x11: {  	[smem:$0x3FB7] =	sst s9;
	s0 =	simm.s32 @!p0 $0x0  }
0x12: {  	s1 =	sld [smem:$0x3F9D];
	s0 =	simm.s32 @p0 $0x1  }
0x13: {  	[smem:$0x3FB8] =	sst s0;
	s0 =	simm.s32 @!p1 $0x0  }
0x14: {  	s2 =	sld [smem:$0x3F9C];
	s0 =	simm.s32 @p1 $0x1  }
0x15: {  	[smem:$0x3FB9] =	sst s0;
	s0 =	simm.s32 @!p2 $0x0  }
0x16: {  	s3 =	sld [smem:$0x3FDB];
	s0 =	simm.s32 @p2 $0x1  }
0x17: {  	s4 =	simm.s32 $0x1BF5;
	[smem:$0x3FBB] =	sst s0  }
0x18: {  	s0 =	sld [smem:$0x3F9E];
	_ =	swait.ge [sflag:s4], $0x0  }
0x19: {  	s7 =	sld [smem:$0x3F9F]  }
0x1a: {  	s8 =	sadd.s32 $0xFFFFE003, lr  }
0x1b: {  	s9 =	sadd.s32 $0xFFFFFEF7, lr;
	s5 =	simm.s32 $0xFFFFFFFF;
	p2 =	slt.u32 s8, $0xFFFFF086  }
0x1c: {  	p1 =	slt.u32 s9, $0xF7A;
	s5 =	simm.s32 @!p2 $0x0  }
0x1d: {  	s5 =	simm.s32 @p1 $0x1;
	p0 =	seq.s32 s7, s2  }
0x1e: {  	s7 =	smul.u32 @!p0 $0xF7A, s2;
	p2 =	seq.s32 @!p0 s5, $0x0  }
0x1f: {  	s9 =	smul.u32 $0xF7A, s1;
	s8 =	simm.s32 @!p0 $0x1BF5;
	p2 =	por !p2, p0  }
0x20: {  	[sflag:s8] =	ssyncset.s32 @!p0 $0xFFFFF086;
	s6 =	sadd.s32 @!p0 s3, s7;
	s7 =	simm.s32 @!p0 $0x108  }
0x21: {  	s3 =	sadd.s32 s3, s9;
	s6 =	sadd.s32 @!p0 $0x88, s6;
	s7 =	simm.s32 @p2 $0x1082  }
0x22: {  	[simem:s7], [sflag:s8] =	dma.local @!p0 [hbm:s6], $0xF7A  }
0x23: {  	s9 =	sor.u32 $0xD0000000, s2;
	s6 =	simm.s32 $0x108;
	_ =	swait.ge @!p0 [sflag:s8], $0x0  }
0x24: {  	s3 =	sadd.s32 $0x88, s3;
	s6 =	simm.s32 @!p1 $0x1082;
	[sflag:s4] =	ssyncset.s32 $0xFFFFF086  }
0x25: {  	[simem:s6], [sflag:s4] =	dma.local [hbm:s3], $0xF7A  }
0x26: {  	[smem:$0x3F9F] =	sst s1;
	(tag) =	ssettag s2;
	_ =	strace s9  }
0x27: {  	s1 =	sld [smem:$0x3FAF]  }
0x28: {  	s2 =	sld [smem:$0x3FB0]  }
0x29: {  	s4 =	sld [smem:$0x3FB2]  }
0x2a: {  	p0 =	seq.s32 s5, $0x0;
	s5 =	sld [smem:$0x3FB3]  }
0x2b: {  	s6 =	sld [smem:$0x3FB4]  }
0x2c: {  	s7 =	sld [smem:$0x3FB5]  }
0x2d: {  	s3 =	simm.s32 $0x108;
	s8 =	sld [smem:$0x3FB6]  }
0x2e: {  	s3 =	simm.s32 @!p0 $0x1082;
	s9 =	sld [smem:$0x3FB7]  }
0x2f: {  	lr =	sadd.s32 s0, s3;
	s0 =	sld [smem:$0x3FAE]  }
0x30: {  	s3 =	sld [smem:$0x3FB1]  }
0x31: {  	[smem:$0x3FBA] =	sst s10  }
0x32: {  	s10 =	sld [smem:$0x3FB8];
	_ =	sdelay $0x3  }
0x33: {  	p0 =	seq.s32 s10, $0x1;
	s10 =	sld [smem:$0x3FBA];
	_ =	sdelay $0x3  }
0x34: {  	[smem:$0x3FBA] =	sst s10  }
0x35: {  	s10 =	sld [smem:$0x3FB9];
	_ =	sdelay $0x3  }
0x36: {  	p1 =	seq.s32 s10, $0x1;
	s10 =	sld [smem:$0x3FBA];
	_ =	sdelay $0x3  }
0x37: {  	[smem:$0x3FBA] =	sst s10  }
0x38: {  	s10 =	sld [smem:$0x3FBB]  }
0x39: {  	_ = 	snop;
	(pc) =	sbr.ind lr, $3  }
0x3a: {  	_ = 	snop  }
0x3b: {  	_ = 	snop  }
0x3c: {  	p2 =	seq.s32 s10, $0x1;
	s10 =	sld [smem:$0x3FBA]  }
0x3d: {  	_ =	shalt  }
0x3e: {  	_ =	shalt  }
0x3f: {  	_ =	shalt  }
0x40: {  	_ =	shalt  }
0x41: {  	_ =	shalt  }
0x42: {  	_ =	shalt  }
0x43: {  	_ =	shalt  }
0x44: {  	_ =	shalt  }
0x45: {  	_ =	shalt  }
0x46: {  	_ =	shalt  }
0x47: {  	_ =	shalt  }
0x48: {  	_ =	shalt  }
0x49: {  	_ =	shalt  }
0x4a: {  	_ =	shalt  }
0x4b: {  	_ =	shalt  }
0x4c: {  	_ =	shalt  }
0x4d: {  	_ =	shalt  }
0x4e: {  	_ =	shalt  }
0x4f: {  	_ =	shalt  }
0x50: {  	_ =	shalt  }
0x51: {  	_ =	shalt  }
0x52: {  	_ =	shalt  }
0x53: {  	_ =	shalt  }
0x54: {  	_ =	shalt  }
0x55: {  	_ =	shalt  }
0x56: {  	_ =	shalt  }
0x57: {  	_ =	shalt  }
0x58: {  	_ =	shalt  }
0x59: {  	_ =	shalt  }
0x5a: {  	_ =	shalt  }
0x5b: {  	_ =	shalt  }
0x5c: {  	_ =	shalt  }
0x5d: {  	_ =	shalt  }
0x5e: {  	_ =	shalt  }
0x5f: {  	_ =	shalt  }
0x60: {  	_ =	shalt  }
0x61: {  	_ =	shalt  }
0x62: {  	_ =	shalt  }
0x63: {  	_ =	shalt  }
0x64: {  	_ =	shalt  }
0x65: {  	_ =	shalt  }
0x66: {  	_ =	shalt  }
0x67: {  	_ =	shalt  }
0x68: {  	_ =	shalt  }
0x69: {  	_ =	shalt  }
0x6a: {  	_ =	shalt  }
0x6b: {  	_ =	shalt  }
0x6c: {  	_ =	shalt  }
0x6d: {  	_ =	shalt  }
0x6e: {  	_ =	shalt  }
0x6f: {  	_ =	shalt  }
0x70: {  	_ =	shalt  }
0x71: {  	_ =	shalt  }
0x72: {  	_ =	shalt  }
0x73: {  	_ =	shalt  }
0x74: {  	_ =	shalt  }
0x75: {  	_ =	shalt  }
0x76: {  	_ =	shalt  }
0x77: {  	_ =	shalt  }
0x78: {  	_ =	shalt  }
0x79: {  	_ =	shalt  }
0x7a: {  	_ =	shalt  }
0x7b: {  	_ =	shalt  }
0x7c: {  	_ =	shalt  }
0x7d: {  	_ =	shalt  }
0x7e: {  	_ =	shalt  }
0x7f: {  	_ =	shalt  }
0x80: {  	_ =	shalt  }
0x81: {  	_ =	shalt  }
0x82: {  	_ =	shalt  }
0x83: {  	_ =	shalt  }
0x84: {  	_ =	shalt  }
0x85: {  	_ =	shalt  }
0x86: {  	_ =	shalt  }
0x87: {  	_ =	shalt  }
.Lfunc_end0:
.L_simem_size_0:
called_computation_lowered:
.L_overlay_start_0:
0x88: {  	s2 =	sld [smem:$0x3FD9]  }
0x89: {  	s3 =	sld [smem:$0x3FFE];
	_ =	sdelay $0x1  }
0x8a: {  	s1 =	srdreg.scid  }
0x8b: {  	s0 =	sand.u32 $0x1, s1  }
0x8c: {  	s17 =	sshll.u32 s0, $0xA;
	s2 =	sadd.s32 s3, s2  }
0x8d: {  	s2 =	sadd.s32 s2, s17  }
0x8e: {  	[smem:$0x3FC6] =	sst s2  }
0x8f: {  	_ = 	snop  }
0x90: {  	s2 =	sld [smem:$0x3FD0];
	(tm) =	ssettm $0x1  }
0x91: {  	s18 =	sld [smem:$0x3FFB];
	_ =	sdelay $0x3  }
0x92: {  	_ =	strace s18  }
0x93: {  	s3 =	sld [smem:$0x3FFC];
	_ =	sdelay $0x3  }
0x94: {  	_ =	strace s3  }
0x95: {  	s3 =	sld [smem:$0x3FFD];
	_ =	sdelay $0x3  }
0x96: {  	_ =	strace s3  }
0x97: {  	_ =	strace $0x8FFFFFFF  }
0x98: {  	s19 =	sld [smem:$0x3FDB];
	_ =	sdelay $0x1  }
0x99: {  	s4 =	simm.s32 $_scs_section_size  }
0x9a: {  	s5 =	simm.s32 $_size__tile_overlayer_lowered;
	s6 =	simm.s32 $_tile_overlayer_lowered  }
0x9b: {  	s22 =	simm.s32 $0x1BFF;
	s21 =	sshll.u32 s6, $0x1;
	s3 =	sadd.s32 s4, s19  }
0x9c: {  	s7 =	simm.s32 $0x0;
	s20 =	sshll.u32 s5, $0x1;
	s5 =	sadd.s32 s21, s3  }
0x9d: {  	[timem:s7], [sflag:s22] =	dma.local [hbm:s5], s20  }
0x9e: {  	_ =	swait.ge [sflag:s22], s20  }
0x9f: {  	s4 =	ssub.s32 $0x0, s20;
	[sflag:s22] =	ssyncset.done $0x0  }
0xa0: {  	[sflag:s22] =	ssyncadd.s32 s4;
	_ =	sdelay $0x1  }
0xa1: {  	s23 =	simm.s32 $0x1B8B  }
0xa2: {  	_ =	swait.ge [sflag:s23], $0x1  }
0xa3: {  	[sflag:s23] =	ssyncset.done $0x0  }
0xa4: {  	s25 =	simm.s32 $0x1B8E;
	s24 =	sld [smem:$0x3FFE];
	[sflag:s23] =	ssyncadd.s32 $0xFFFFFFFF  }
0xa5: {  	s26 =	simm.s32 $execute0_lowered;
	[smem:$0x3FD2] =	sst s25  }
0xa6: {  	s5 =	sshll.u32 s26, $0x1;
	_ =	strace $0x80000046;
	[dreg:$0x1] =	wrdreg $0xFFFFFFFF  }
0xa7: {  	s28 =	simm.s32 $_size_execute0_lowered;
	s3 =	sadd.s32 s3, s5;
	[dreg:$0x0] =	wrdreg $0x0  }
0xa8: {  	s5 =	sshll.u32 s28, $0x1;
	[dreg:$0x2] =	wrdreg s3  }
0xa9: {  	[dreg:$0x3] =	wrdreg s5  }
0xaa: {  	[dreg:$0x4] =	wrdreg $0xC0  }
0xab: {  	_ =	task [dreg:s7], $0x5FFFF  }
0xac: {  	[dreg:$0x1] =	wrdreg $0xFFFFFFFF  }
0xad: {  	[dreg:$0x0] =	wrdreg $0x60  }
0xae: {  	[dreg:$0x2] =	wrdreg s24  }
0xaf: {  	[dreg:$0x3] =	wrdreg s2  }
0xb0: {  	[dreg:$0x4] =	wrdreg $0xC5300  }
0xb1: {  	[dreg:$0x5] =	wrdreg $0x9  }
0xb2: {  	_ =	task.clear_ibuf [dreg:s7], $0x6FFFF;
	_ =	strace $0x90000046  }
0xb3: {  	s29 =	simm.s32 $0x9;
	_ =	strace $0x80000048  }
0xb4: {  	_ =	swait.ge [sflag:s29], $0x1  }
0xb5: {  	[sflag:s29] =	ssyncadd.s32 $0xFFFFFFFF  }
0xb6: {  	_ =	strace $0x90000048  }
0xb7: {  	_ =	sfence  }
0xb8: {  	s30 =	sld [smem:$0x0];
	_ =	sdelay $0x2  }
0xb9: {  	s31 =	sshll.u32 s1, $0xD;
	s1 =	sshrl.u32 s1, $0x2  }
0xba: {  	s3 =	sand.u32 $0x4000, s31;
	s1 =	sadd.s32 s1, s30  }
0xbb: {  	s0 =	sor.u32 s3, s0;
	s1 =	sshll.u32 s1, $0x11  }
0xbc: {  	s0 =	sor.u32 s1, s0  }
0xbd: {  	s0 =	sadd.s32 $0x8F2B, s0  }
0xbe: {  	[sflag:s0] =	ssyncadd.remote.s32 $0x1  }
0xbf: {  	_ =	sfence.sel $0xFFFF  }
0xc0: {  	[dreg:$0x0] =	wrdreg $0xFFFFFFFF;
	(pc) =	sbr.abs _section_cstart, $3  }
0xc1: {  	[dreg:$0x1] =	wrdreg $0xFFFFFFFF  }
0xc2: {  	_ =	task.clear_ibuf [dreg:s7], $0x2FFFF;
	_ =	strace $0x9FFFFFFF  }
0xc3: {  	(tm) =	ssettm $0x7FFFFFFF  }
tec
execute0_lowered:
.L_overlay_start_1:
0x0: {  	(tag) =	ssettag $0x1  }
0x1: {  	v0 =	vimm.s32 $0xFEDCBA98  }
0x2: {  	s4 =	rddreg [dreg:$0x0];
	v1 =	vimm.s32 $0x76543210;
	v0 =	vunpack.c.l.s4.s8 v0  }
0x3: {  	s0 =	srdreg.scid;
	s6 =	rddreg [dreg:$0x1];
	v3 =	vimm.s32 $0x32107654;
	v1 =	vunpack.c.l.s4.s8 v1  }
0x4: {  	s8 =	stileid.u32;
	v2 =	vimm.s32 $0xBA98FEDC;
	s1 =	rddreg [dreg:$0x2];
	s2 =	simm.s32 $0x0;
	v3 =	vunpack.c.l.s4.s8 v3;
	v0 =	vunpack.c.0.s8.s32 v0  }
0x5: {  	v4 =	vimm.s32 $0x54761032;
	s11 =	simm.s32 $0x50;
	s12 =	simm.s32 $0x4E20;
	s13 =	simm.s32 $0x6220;
	v2 =	vunpack.c.l.s4.s8 v2;
	v1 =	vunpack.c.0.s8.s32 v1  }
0x6: {  	v5 =	vimm.s32 $0xEFCDAB89;
	s14 =	simm.s32 $0x7620;
	s15 =	simm.s32 $0x8A20;
	s16 =	simm.s32 $0x1;
	v3 =	vunpack.c.0.s8.s32 v3;
	v0 =	vand.u32 $0xF, v0  }
0x7: {  	s17 =	simm.s32 $0x2;
	s3 =	sand.u32 $0x1, s0;
	s29 =	sshll.u32 s8, $0x1;
	v0 =	vcombine.low v0, v1;
	v1 =	vunpack.c.0.s8.s32 v2;
	v2 =	vimm.s32 $0xDCFE98BA  }
0x8: {  	v6 =	vimm.s32 $0x67452301;
	s18 =	simm.s32 $0x9E20;
	s0 =	rddreg [dreg:$0x3];
	v4 =	vunpack.c.l.s4.s8 v4;
	s5 =	sor.u32 s3, s29;
	v2 =	vunpack.c.l.s4.s8 v2  }
0x9: {  	s19 =	simm.s32 $0x0;
	[smem:$0x7FF] =	sst s2;
	s5 =	smul.u32 $0x2710, s5;
	v3 =	vcombine.low v3, v1;
	v1 =	vunpack.c.l.s4.s8 v5;
	v5 =	vunpack.c.l.s4.s8 v6  }
0xa: {  	vm0 =	vcmask $0x2F20;
	p0 =	sne.s32 s8, $0x0;
	_ =	strace $0x80000047;
	s30 =	ssub.s32 $0x2, s3;
	v4 =	vunpack.c.0.s8.s32 v4;
	v2 =	vunpack.c.0.s8.s32 v2  }
0xb: {  	vm1 =	vcmask $0xF00;
	s3 =	sadd.s32 $0x600, s4;
	s31 =	sshrl.u32 s30, $0x1;
	s7 =	sshrl.u32 s5, $0x3;
	v6 =	vunpack.c.0.s8.s32 v1;
	v5 =	vunpack.c.0.s8.s32 v5  }
0xc: {  	vm0 =	vmor vm1, vm0;
	vm1 =	vmmov $0xff;
	s8 =	sshrl.u32 @!p0 s1, $0x3;
	s10 =	ssub.s32 s30, s31;
	s9 =	sadd.s32 s7, s4;
	v1 =	vcombine.low v4, v2  }
0xd: {  	s6 =	sadd.s32 s6, s7;
	s7 =	smax.u32 s10, $0x1;
	s10 =	simm.s32 $0x2710;
	v4 =	vimm.s32 $0xC040800;
	v2 =	vcombine.low v5, v6;
	v5 =	vlaneseq.u32  }
0xe: {  	s4 =	sadd.s32 $0x14000, s9;
	s5 =	sadd.s32 $0x1DC40, s9;
	s9 =	simm.s32 $0x3;
	v3 =	vand.u32 $0xF, v3;
	v4 =	vunpack.c.0.s8.s32 v4;
	v5 =	vshrl.u32 v5, $0x2  }
.LBB2_1:
0xf: {  	s20 =	simm.s32 @!p0 $0x1C03  }
0x10: {  	[spmem:s8], [sflag:s20] =	dma.local @!p0 [hbm:s3], $0x13880  }
0x11: {  	s20 =	simm.s32 @!p0 $0x3  }
0x12: {  	_ =	swait.ge @!p0 [sflag:s20], $0x13880  }
0x13: {  	[sflag:s20] =	ssyncset.done @!p0 $0x0  }
0x14: {  	[sflag:s20] =	ssyncadd.s32 @!p0 $0xFFFEC780  }
0x15: {  	[tilespmem:s2], [sflag:$0x3] =	stream.linear.gather [hbm4b:s4+s2], $0x2710, $0x38;
	[tilespmem:$0x16170] =	vst v63  }
0x16: {  	_ =	swait.ge [sflag:s9], $0x2710  }
0x17: {  	[sflag:s9] =	ssyncset.done $0x0  }
0x18: {  	[sflag:s9] =	ssyncadd.s32 $0xFFFFD8F0  }
0x19: {  	[tilespmem:s10], [sflag:$0x3] =	stream.linear.gather [hbm4b:s5+s2], $0x2710, $0x38;
	[tilespmem:$0x16170] =	vst v63  }
0x1a: {  	_ =	swait.ge [sflag:s9], $0x2710  }
0x1b: {  	[sflag:s9] =	ssyncset.done $0x0  }
0x1c: {  	[sflag:s9] =	ssyncadd.s32 $0xFFFFD8F0  }
0x1d: {  	[bflag:$0x0] =	sbarrier.arrive $0xFFFF  }
0x1e: {  	[tilespmem:s12], [sflag:$0x1] =	stream.indirect.gather [spmem:s1], $0x40, s2, s11, $0xb8;
	[tilespmem:$0x16170] =	vst v63  }
0x1f: {  	s20 =	simm.s32 $0x0  }
0x20: {  	[tilespmem:s13], [sflag:$0x1] =	stream.indirect.gather [spmem:s1], $0x40, s10, s11, $0xb8;
	[tilespmem:$0x16170] =	vst v63  }
.LBB2_2:
0x21: {  	s22 =	smul.u32 $0xA0, s20;
	_ =	sdelay $0x1  }
0x22: {  	s21 =	sadd.s32 $0x50, s22  }
0x23: {  	[tilespmem:s14], [sflag:$0x2] =	stream.indirect.gather [spmem:s1], $0x40, s21, s11, $0xb8;
	[tilespmem:$0x16170] =	vst v63  }
0x24: {  	s23 =	sadd.s32 $0x2760, s22  }
0x25: {  	[tilespmem:s15], [sflag:$0x2] =	stream.indirect.gather [spmem:s1], $0x40, s23, s11, $0xb8;
	[tilespmem:$0x16170] =	vst v63  }
0x26: {  	_ =	swait.ge [sflag:s16], $0x1400  }
0x27: {  	s31 =	smul.u32 $0x280, s20;
	[sflag:s16] =	ssyncset.done $0x0  }
0x28: {  	[sflag:s16] =	ssyncadd.s32 $0xFFFFEC00  }
0x29: {  	s23 =	sshra.s32 s31, $0x2;
	_ =	swait.ge [sflag:s16], $0x1400  }
0x2a: {  	s24 =	simm.s32 $0x4EA0;
	s26 =	sadd.s32 $0x9E20, s23;
	[sflag:s16] =	ssyncset.done $0x0  }
0x2b: {  	s25 =	simm.s32 $0x62A0;
	s23 =	simm.s32 $0x0;
	v6 =	vmov s26;
	[sflag:s16] =	ssyncadd.s32 $0xFFFFEC00  }
.LBB2_3:
0x2c: {  	v9 =	vld [tilespmem:s25+$0xFFFFFFD0]  }
0x2d: {  	v11 =	vld [tilespmem:s25+$0x20]  }
0x2e: {  	v10 =	vld [tilespmem:s25+$0x0]  }
0x2f: {  	v12 =	vld [tilespmem:s24+$0x0]  }
0x30: {  	v13 =	vld [tilespmem:s24+$0xFFFFFFF0]  }
0x31: {  	v14 =	vld [tilespmem:s24+$0x10]  }
0x32: {  	v15 =	vld [tilespmem:s25+$0x10]  }
0x33: {  	v16 =	vld [tilespmem:s25+$0xFFFFFFF0]  }
0x34: {  	v17 =	vld [tilespmem:s24+$0xFFFFFF80]  }
0x35: {  	v18 =	vld [tilespmem:s25+$0xFFFFFF80]  }
0x36: {  	v19 =	vld [tilespmem:s24+$0xFFFFFFD0]  }
0x37: {  	v20 =	vld [tilespmem:s24+$0xFFFFFF90]  }
0x38: {  	v21 =	vld [tilespmem:s25+$0xFFFFFF90]  }
0x39: {  	v22 =	vld [tilespmem:s24+$0xFFFFFFA0]  }
0x3a: {  	v23 =	vld [tilespmem:s24+$0xFFFFFFC0]  }
0x3b: {  	v26 =	vld [tilespmem:s25+$0xFFFFFFA0]  }
0x3c: {  	v63 =	vld [tilespmem:s24+$0xFFFFFFB0]  }
0x3d: {  	v30 =	vld [tilespmem:s25+$0xFFFFFFB0]  }
0x3e: {  	v7 =	vimm.f32 $0.0e+00;
	v45 =	vld [tilespmem:s25+$0xFFFFFFC0]  }
0x3f: {  	v32 =	vld [tilespmem:s24+$0xFFFFFFE0];
	v8 =	vshll.u32 v9, $0x10;
	v24 =	vshll.u32 v17, $0x10;
	v25 =	vshll.u32 v18, $0x10  }
0x40: {  	v34 =	vld [tilespmem:s24+$0x20];
	v27 =	vmul.f32 v15, v14;
	v28 =	vshll.u32 v19, $0x10;
	v29 =	vshll.u32 v20, $0x10  }
0x41: {  	v36 =	vld [tilespmem:s25+$0x50];
	v44 =	vshll.u32 v21, $0x10;
	v31 =	vshll.u32 v16, $0x10;
	v20 =	vmul.f32 v21, v20  }
0x42: {  	v37 =	vld [tilespmem:s24+$0x30];
	v46 =	vshll.u32 v22, $0x10;
	v17 =	vmul.f32 v18, v17;
	v18 =	vshll.u32 v23, $0x10  }
0x43: {  	v39 =	vld [tilespmem:s25+$0x40];
	v9 =	vmul.f32 v9, v19;
	v19 =	vshll.u32 v26, $0x10;
	v15 =	vshll.u32 v15, $0x10  }
0x44: {  	v42 =	vld [tilespmem:s24+$0x40];
	v47 =	vshll.u32 v13, $0x10;
	v14 =	vshll.u32 v14, $0x10;
	v22 =	vmul.f32 v26, v22  }
0x45: {  	v49 =	vld [tilespmem:s25+$0x30];
	v50 =	vshll.u32 v30, $0x10;
	v35 =	vshll.u32 v45, $0x10;
	v51 =	vshll.u32 v12, $0x10  }
0x46: {  	v12 =	vmul.f32 v10, v12;
	v52 =	vshll.u32 v32, $0x10;
	v10 =	vshll.u32 v10, $0x10  }
0x47: {  	v43 =	vld [tilespmem:s24+$0x60];
	v13 =	vmul.f32 v16, v13;
	v16 =	vshll.u32 v11, $0x10;
	v40 =	vshll.u32 v63, $0x10  }
0x48: {  	v38 =	vld [tilespmem:s24+$0x50];
	v41 =	vshll.u32 v34, $0x10;
	v53 =	vshll.u32 v36, $0x10;
	v11 =	vmul.f32 v11, v34  }
0x49: {  	v54 =	vshll.u32 v37, $0x10;
	v58 =	vmul.f32 v39, v42;
	v24 =	vmul.f32 v25, v24  }
0x4a: {  	v55 =	vshll.u32 v49, $0x10;
	v8 =	vmul.f32 v8, v28;
	v21 =	vmul.f32 v44, v29  }
0x4b: {  	v33 =	vld [tilespmem:s25+$0xFFFFFFE0];
	v57 =	vshll.u32 v39, $0x10;
	v19 =	vmul.f32 v19, v46;
	v48 =	vmul.f32 v31, v47  }
0x4c: {  	v60 =	vshll.u32 v43, $0x10;
	v18 =	vmul.f32 v35, v18;
	v25 =	vmul.f32 v30, v63  }
0x4d: {  	v14 =	vmul.f32 v15, v14;
	v15 =	vshll.u32 v38, $0x10;
	v30 =	vmul.f32 v55, v54  }
0x4e: {  	v15 =	vmul.f32 v53, v15;
	v17 =	vadd.f32 v24, v17;
	v24 =	vmul.f32 v10, v51  }
0x4f: {  	v10 =	vadd.f32 v48, v13;
	v13 =	vmul.f32 v16, v41;
	v19 =	vadd.f32 v19, v22;
	v22 =	vld [tilespmem:s25+$0x60]  }
0x50: {  	v16 =	vshll.u32 v33, $0x10;
	v27 =	vadd.f32 v14, v27;
	v14 =	vmul.f32 v33, v32  }
0x51: {  	v56 =	vld [tilespmem:s25+$0x70];
	v24 =	vadd.f32 v24, v12;
	v12 =	vadd.f32 v21, v20;
	v20 =	vmul.f32 v50, v40  }
0x52: {  	v59 =	vld [tilespmem:s24+$0x70];
	v21 =	vmul.f32 v49, v37;
	v11 =	vadd.f32 v13, v11;
	v13 =	vshll.u32 v42, $0x10  }
0x53: {  	v17 =	vadd.f32 v12, v17;
	v12 =	vmul.f32 v16, v52;
	v16 =	vmul.f32 v36, v38  }
0x54: {  	v63 =	vmul.f32 v57, v13;
	v20 =	vadd.f32 v20, v25;
	v61 =	vshll.u32 v22, $0x10  }
0x55: {  	v62 =	vmul.f32 v22, v43;
	v22 =	vmul.f32 v45, v23;
	v16 =	vadd.f32 v15, v16  }
0x56: {  	v23 =	vshll.u32 v56, $0x10;
	v20 =	vadd.f32 v20, v19;
	v15 =	vadd.f32 v27, v24  }
0x57: {  	v19 =	vadd.f32 v30, v21;
	v26 =	vmul.f32 v61, v60;
	v21 =	vshll.u32 v59, $0x10  }
0x58: {  	s28 =	simm.s32 $0x1;
	v13 =	vadd.f32 v20, v17;
	v20 =	vmul.f32 v23, v21;
	v21 =	vadd.f32 v63, v58  }
0x59: {  	s29 =	sadd.s32 $0x100, s25;
	s30 =	smov.u32 s24;
	s26 =	simm.s32 $0x0;
	v17 =	vadd.f32 v18, v22;
	v22 =	vmul.f32 v56, v59;
	v18 =	vadd.f32 v26, v62  }
.LBB2_4:
0x5a: {  	p1 =	sne.s32 s28, $0x3  }
0x5b: {  	v23 =	vld [tilespmem:s29+$0xFFFFFFD0];
	v19 =	vadd.f32 v19, v11;
	v16 =	vadd.f32 v16, v21;
	s30 =	sadd.s32 $0x100, s30;
	s31 =	smov.u32 s28;
	s28 =	sadd.s32 $0x1, s28  }
0x5c: {  	v12 =	vadd.f32 v12, v14;
	v11 =	vld [tilespmem:s29+$0x20];
	v14 =	vadd.f32 v20, v22  }
0x5d: {  	v8 =	vadd.f32 v8, v9;
	v20 =	vld [tilespmem:s29+$0x0];
	v9 =	vadd.f32 v19, v15  }
0x5e: {  	v10 =	vadd.f32 v10, v12;
	v15 =	vld [tilespmem:s30+$0x0];
	v12 =	vadd.f32 v14, v18  }
0x5f: {  	v8 =	vadd.f32 v8, v17;
	v14 =	vld [tilespmem:s30+$0xFFFFFFF0];
	v17 =	vperm.xlane v9, v0  }
0x60: {  	v18 =	vld [tilespmem:s30+$0x10];
	v12 =	vadd.f32 v12, v16  }
0x61: {  	v8 =	vadd.f32 v10, v8;
	v16 =	vshll.u32 v23, $0x10;
	v19 =	vld [tilespmem:s29+$0x10];
	v9 =	vadd.f32 v17, v9  }
0x62: {  	v10 =	vld [tilespmem:s29+$0xFFFFFFF0];
	v17 =	vperm.xlane v12, v0  }
0x63: {  	v22 =	vperm.xlane v13, v0;
	v24 =	vperm.xlane v8, v0;
	v21 =	vld [tilespmem:s30+$0xFFFFFF80]  }
0x64: {  	v25 =	vld [tilespmem:s29+$0xFFFFFF80];
	v12 =	vadd.f32 v12, v17  }
0x65: {  	v13 =	vadd.f32 v22, v13;
	v8 =	vadd.f32 v24, v8;
	v17 =	vld [tilespmem:s30+$0xFFFFFFD0]  }
0x66: {  	v22 =	vld [tilespmem:s30+$0xFFFFFF90];
	v24 =	vmul.f32 v19, v18;
	v9 =	vsel vm1, v9, v12  }
0x67: {  	v8 =	vsel vm1, v13, v8;
	v12 =	vld [tilespmem:s29+$0xFFFFFF90];
	v13 =	vperm.xlane v9, v3  }
0x68: {  	v27 =	vperm.xlane v8, v3;
	v26 =	vld [tilespmem:s30+$0xFFFFFFA0]  }
0x69: {  	v28 =	vshll.u32 v21, $0x10;
	v29 =	vshll.u32 v25, $0x10;
	v30 =	vld [tilespmem:s30+$0xFFFFFFC0];
	v9 =	vadd.f32 v9, v13  }
0x6a: {  	v32 =	vshll.u32 v10, $0x10;
	v27 =	vadd.f32 v27, v8;
	v13 =	vld [tilespmem:s29+$0xFFFFFFA0];
	v31 =	vshll.u32 v17, $0x10  }
0x6b: {  	v28 =	vmul.f32 v29, v28;
	v29 =	vshll.u32 v22, $0x10;
	v33 =	vld [tilespmem:s30+$0xFFFFFFB0];
	v8 =	vmul.f32 v16, v31  }
0x6c: {  	v27 =	vsel vm0, v27, v9;
	v16 =	vshll.u32 v12, $0x10;
	v12 =	vmul.f32 v12, v22;
	v22 =	vld [tilespmem:s29+$0xFFFFFFB0]  }
0x6d: {  	v34 =	vperm.xlane v27, v1;
	v16 =	vmul.f32 v16, v29;
	v29 =	vshll.u32 v26, $0x10;
	v31 =	vld [tilespmem:s29+$0xFFFFFFC0]  }
0x6e: {  	v21 =	vmul.f32 v25, v21;
	v9 =	vmul.f32 v23, v17;
	v25 =	vshll.u32 v30, $0x10;
	v17 =	vld [tilespmem:s30+$0xFFFFFFE0]  }
0x6f: {  	v19 =	vshll.u32 v19, $0x10;
	v27 =	vadd.f32 v27, v34;
	v23 =	vshll.u32 v13, $0x10;
	v35 =	vld [tilespmem:s29+$0xFFFFFFE0]  }
0x70: {  	v18 =	vshll.u32 v18, $0x10;
	v23 =	vmul.f32 v23, v29;
	v29 =	vshll.u32 v14, $0x10;
	v34 =	vld [tilespmem:s30+$0x20]  }
0x71: {  	v13 =	vmul.f32 v13, v26;
	v26 =	vmul.f32 v32, v29;
	v29 =	vld [tilespmem:s29+$0x30];
	v32 =	vmov s26;
	s26 =	smov.u32 s31  }
0x72: {  	v36 =	vshll.u32 v22, $0x10;
	v37 =	vshll.u32 v31, $0x10;
	v38 =	vld [tilespmem:s30+$0x30];
	vm2 =	veq.s32 v32, v5  }
0x73: {  	v21 =	vadd.f32 v28, v21;
	v28 =	vshll.u32 v15, $0x10;
	v15 =	vmul.f32 v20, v15;
	v32 =	vld [tilespmem:s29+$0x50]  }
0x74: {  	v20 =	vshll.u32 v20, $0x10;
	v25 =	vmul.f32 v37, v25;
	v37 =	vshll.u32 v17, $0x10;
	v39 =	vld [tilespmem:s30+$0x50]  }
0x75: {  	v10 =	vmul.f32 v10, v14;
	v14 =	vshll.u32 v11, $0x10;
	v41 =	vperm.xlane v27, v2;
	v40 =	vld [tilespmem:s29+$0x40]  }
0x76: {  	v20 =	vmul.f32 v20, v28;
	v42 =	vshll.u32 v33, $0x10;
	v28 =	vshll.u32 v34, $0x10;
	v43 =	vld [tilespmem:s30+$0x40]  }
0x77: {  	v10 =	vadd.f32 v26, v10;
	v26 =	vadd.f32 v27, v41;
	v14 =	vmul.f32 v14, v28  }
0x78: {  	v15 =	vadd.f32 v20, v15;
	v27 =	vshll.u32 v35, $0x10;
	v20 =	vshll.u32 v32, $0x10  }
0x79: {  	v13 =	vadd.f32 v23, v13;
	v26 =	vperm.xlane v26, v4;
	v23 =	vshll.u32 v38, $0x10;
	v28 =	vld [tilespmem:s29+$0x60]  }
0x7a: {  	v22 =	vmul.f32 v22, v33;
	v33 =	vshll.u32 v29, $0x10;
	v41 =	vshll.u32 v39, $0x10;
	v44 =	vld [tilespmem:s30+$0x60]  }
0x7b: {  	v12 =	vadd.f32 v16, v12;
	v16 =	vmul.f32 v19, v18;
	v11 =	vmul.f32 v11, v34  }
0x7c: {  	v18 =	vmul.f32 v36, v42;
	v19 =	vmul.f32 v29, v38;
	v7 =	vsel vm2, v26, v7;
	v29 =	vld [tilespmem:s29+$0x70]  }
0x7d: {  	v21 =	vadd.f32 v12, v21;
	v11 =	vadd.f32 v14, v11;
	v26 =	vshll.u32 v43, $0x10;
	v34 =	vld [tilespmem:s30+$0x70]  }
0x7e: {  	v12 =	vmul.f32 v27, v37;
	v27 =	vshll.u32 v40, $0x10;
	v36 =	vmul.f32 v40, v43  }
0x7f: {  	v20 =	vmul.f32 v20, v41;
	v38 =	vshll.u32 v28, $0x10;
	v37 =	vshll.u32 v44, $0x10  }
0x80: {  	v24 =	vadd.f32 v16, v24;
	v23 =	vmul.f32 v33, v23;
	v16 =	vmul.f32 v32, v39  }
0x81: {  	v18 =	vadd.f32 v18, v22;
	v14 =	vmul.f32 v35, v17;
	v28 =	vmul.f32 v28, v44  }
.Ltmp0:
0x82: {  	v17 =	vmul.f32 v31, v30;
	v16 =	vadd.f32 v20, v16;
	v22 =	vshll.u32 v29, $0x10;
	(pc) =	sbr.rel @p1 .LBB2_4-.Ltmp0, $4  }
0x83: {  	v15 =	vadd.f32 v24, v15;
	v13 =	vadd.f32 v18, v13;
	v18 =	vmul.f32 v27, v26  }
0x84: {  	v19 =	vadd.f32 v23, v19;
	v23 =	vmul.f32 v38, v37;
	v20 =	vshll.u32 v34, $0x10  }
0x85: {  	v13 =	vadd.f32 v13, v21;
	v21 =	vadd.f32 v18, v36;
	v20 =	vmul.f32 v22, v20  }
0x86: {  	v17 =	vadd.f32 v25, v17;
	s29 =	sadd.s32 $0x100, s29;
	v18 =	vadd.f32 v23, v28;
	v22 =	vmul.f32 v29, v34  }
0x87: {  	v11 =	vadd.f32 v19, v11;
	v12 =	vadd.f32 v12, v14  }
0x88: {  	v8 =	vadd.f32 v8, v9;
	v55 =	vadd.f32 v20, v22  }
0x89: {  	v56 =	vadd.f32 v16, v21;
	v10 =	vadd.f32 v10, v12  }
0x8a: {  	v8 =	vadd.f32 v8, v17;
	v57 =	vadd.f32 v55, v18  }
0x8b: {  	v11 =	vadd.f32 v11, v15  }
0x8c: {  	v8 =	vadd.f32 v10, v8;
	v9 =	vadd.f32 v57, v56  }
0x8d: {  	v60 =	vperm.xlane v13, v0;
	v58 =	vperm.xlane v11, v0  }
0x8e: {  	v61 =	vperm.xlane v8, v0;
	v59 =	vperm.xlane v9, v0  }
0x8f: {  	v62 =	vadd.f32 v60, v13;
	v10 =	vadd.f32 v58, v11  }
0x90: {  	v8 =	vadd.f32 v61, v8;
	v9 =	vadd.f32 v9, v59;
	_ =	sdelay $0x1  }
0x91: {  	v8 =	vsel vm1, v62, v8;
	v9 =	vsel vm1, v10, v9  }
0x92: {  	v11 =	vperm.xlane v8, v3;
	v10 =	vperm.xlane v9, v3;
	_ =	sdelay $0x1  }
0x93: {  	v8 =	vadd.f32 v11, v8;
	v9 =	vadd.f32 v9, v10;
	_ =	sdelay $0x1  }
0x94: {  	v8 =	vsel vm0, v8, v9  }
0x95: {  	v9 =	vperm.xlane v8, v1;
	_ =	sdelay $0x1  }
0x96: {  	v8 =	vadd.f32 v8, v9;
	_ =	sdelay $0x1  }
0x97: {  	v9 =	vperm.xlane v8, v2;
	_ =	sdelay $0x1  }
0x98: {  	v8 =	vadd.f32 v8, v9;
	_ =	sdelay $0x1  }
0x99: {  	v63 =	vmov s26;
	v8 =	vperm.xlane v8, v4  }
0x9a: {  	vm2 =	veq.s32 v63, v5  }
0x9b: {  	v7 =	vsel vm2, v8, v7  }
0x9c: {  	v7 =	vsub.f32 $0.0e+00, v7;
	_ =	sdelay $0x1  }
0x9d: {  	v7 =	vmul.f32 $1.442695020e+00, v7;
	_ =	sdelay $0x1  }
0x9e: {  	(erf) = vpow2.f32 v7;
	_ =	sdelay $0x8  }
0x9f: {  	v7 =	vpop (erf)  }
0xa0: {  	v7 =	vadd.f32 $1.000000000e+00, v7;
	_ =	sdelay $0x1  }
0xa1: {  	(erf) = vrcp.f32 v7;
	_ =	sdelay $0x3  }
0xa2: {  	s31 =	sshll.u32 s23, $0x4;
	s23 =	sadd.s32 $0x1, s23  }
0xa3: {  	p1 =	sne.s32 s23, $0x5  }
.Ltmp1:
0xa4: {  	_ = 	snop;
	(pc) =	sbr.rel @p1 .LBB2_3-.Ltmp1, $3  }
0xa5: {  	_ =	sdelay $0x1  }
0xa6: {  	s26 =	sand.u32 $0x3FFFFFF0, s31;
	v7 =	vpop (erf)  }
0xa7: {  	s24 =	sadd.s32 $0x400, s24;
	s25 =	sadd.s32 $0x400, s25;
	[tilespmem:v6+s26+$0x0 ss:$0x1] =	vst.idx.msk $0xffff, v7  }
0xa8: {  	s23 =	sadd.s32 $0xA0, s22  }
0xa9: {  	[tilespmem:s12], [sflag:$0x1] =	stream.indirect.gather [spmem:s1], $0x40, s23, s11, $0xb8;
	[tilespmem:$0x16170] =	vst v63  }
0xaa: {  	s31 =	sadd.s32 $0x27B0, s22  }
0xab: {  	[tilespmem:s13], [sflag:$0x1] =	stream.indirect.gather [spmem:s1], $0x40, s31, s11, $0xb8;
	[tilespmem:$0x16170] =	vst v63  }
0xac: {  	_ =	swait.ge [sflag:s17], $0x1400  }
0xad: {  	[sflag:s17] =	ssyncset.done $0x0  }
0xae: {  	[sflag:s17] =	ssyncadd.s32 $0xFFFFEC00  }
0xaf: {  	_ =	swait.ge [sflag:s17], $0x1400  }
0xb0: {  	s24 =	sadd.s32 $0x9E20, s21;
	s21 =	simm.s32 $0x0;
	[sflag:s17] =	ssyncset.done $0x0  }
0xb1: {  	s22 =	simm.s32 $0x76A0;
	s23 =	simm.s32 $0x8AA0;
	v6 =	vmov s24;
	[sflag:s17] =	ssyncadd.s32 $0xFFFFEC00  }
.LBB2_7:
0xb2: {  	v9 =	vld [tilespmem:s23+$0xFFFFFFD0]  }
0xb3: {  	v11 =	vld [tilespmem:s23+$0x20]  }
0xb4: {  	v10 =	vld [tilespmem:s23+$0x0]  }
0xb5: {  	v12 =	vld [tilespmem:s22+$0x0]  }
0xb6: {  	v13 =	vld [tilespmem:s22+$0xFFFFFFF0]  }
0xb7: {  	v14 =	vld [tilespmem:s22+$0x10]  }
0xb8: {  	v15 =	vld [tilespmem:s23+$0x10]  }
0xb9: {  	v16 =	vld [tilespmem:s23+$0xFFFFFFF0]  }
0xba: {  	v17 =	vld [tilespmem:s22+$0xFFFFFF80]  }
0xbb: {  	v18 =	vld [tilespmem:s23+$0xFFFFFF80]  }
0xbc: {  	v19 =	vld [tilespmem:s22+$0xFFFFFFD0]  }
0xbd: {  	v20 =	vld [tilespmem:s22+$0xFFFFFF90]  }
0xbe: {  	v21 =	vld [tilespmem:s23+$0xFFFFFF90]  }
0xbf: {  	v22 =	vld [tilespmem:s22+$0xFFFFFFA0]  }
0xc0: {  	v23 =	vld [tilespmem:s22+$0xFFFFFFC0]  }
0xc1: {  	v26 =	vld [tilespmem:s23+$0xFFFFFFA0]  }
0xc2: {  	v63 =	vld [tilespmem:s22+$0xFFFFFFB0]  }
0xc3: {  	v30 =	vld [tilespmem:s23+$0xFFFFFFB0]  }
0xc4: {  	v7 =	vimm.f32 $0.0e+00;
	v45 =	vld [tilespmem:s23+$0xFFFFFFC0]  }
0xc5: {  	v32 =	vld [tilespmem:s22+$0xFFFFFFE0];
	v8 =	vshll.u32 v9, $0x10;
	v24 =	vshll.u32 v17, $0x10;
	v25 =	vshll.u32 v18, $0x10  }
0xc6: {  	v34 =	vld [tilespmem:s22+$0x20];
	v27 =	vmul.f32 v15, v14;
	v28 =	vshll.u32 v19, $0x10;
	v29 =	vshll.u32 v20, $0x10  }
0xc7: {  	v36 =	vld [tilespmem:s23+$0x50];
	v44 =	vshll.u32 v21, $0x10;
	v31 =	vshll.u32 v16, $0x10;
	v20 =	vmul.f32 v21, v20  }
0xc8: {  	v37 =	vld [tilespmem:s22+$0x30];
	v46 =	vshll.u32 v22, $0x10;
	v17 =	vmul.f32 v18, v17;
	v18 =	vshll.u32 v23, $0x10  }
0xc9: {  	v39 =	vld [tilespmem:s23+$0x40];
	v9 =	vmul.f32 v9, v19;
	v19 =	vshll.u32 v26, $0x10;
	v15 =	vshll.u32 v15, $0x10  }
0xca: {  	v42 =	vld [tilespmem:s22+$0x40];
	v47 =	vshll.u32 v13, $0x10;
	v14 =	vshll.u32 v14, $0x10;
	v22 =	vmul.f32 v26, v22  }
0xcb: {  	v49 =	vld [tilespmem:s23+$0x30];
	v50 =	vshll.u32 v30, $0x10;
	v35 =	vshll.u32 v45, $0x10;
	v51 =	vshll.u32 v12, $0x10  }
0xcc: {  	v12 =	vmul.f32 v10, v12;
	v52 =	vshll.u32 v32, $0x10;
	v10 =	vshll.u32 v10, $0x10  }
0xcd: {  	v43 =	vld [tilespmem:s22+$0x60];
	v13 =	vmul.f32 v16, v13;
	v16 =	vshll.u32 v11, $0x10;
	v40 =	vshll.u32 v63, $0x10  }
0xce: {  	v38 =	vld [tilespmem:s22+$0x50];
	v41 =	vshll.u32 v34, $0x10;
	v53 =	vshll.u32 v36, $0x10;
	v11 =	vmul.f32 v11, v34  }
0xcf: {  	v54 =	vshll.u32 v37, $0x10;
	v58 =	vmul.f32 v39, v42;
	v24 =	vmul.f32 v25, v24  }
0xd0: {  	v55 =	vshll.u32 v49, $0x10;
	v8 =	vmul.f32 v8, v28;
	v21 =	vmul.f32 v44, v29  }
0xd1: {  	v33 =	vld [tilespmem:s23+$0xFFFFFFE0];
	v57 =	vshll.u32 v39, $0x10;
	v19 =	vmul.f32 v19, v46;
	v48 =	vmul.f32 v31, v47  }
0xd2: {  	v60 =	vshll.u32 v43, $0x10;
	v18 =	vmul.f32 v35, v18;
	v25 =	vmul.f32 v30, v63  }
0xd3: {  	v14 =	vmul.f32 v15, v14;
	v15 =	vshll.u32 v38, $0x10;
	v30 =	vmul.f32 v55, v54  }
0xd4: {  	v15 =	vmul.f32 v53, v15;
	v17 =	vadd.f32 v24, v17;
	v24 =	vmul.f32 v10, v51  }
0xd5: {  	v10 =	vadd.f32 v48, v13;
	v13 =	vmul.f32 v16, v41;
	v19 =	vadd.f32 v19, v22;
	v22 =	vld [tilespmem:s23+$0x60]  }
0xd6: {  	v16 =	vshll.u32 v33, $0x10;
	v27 =	vadd.f32 v14, v27;
	v14 =	vmul.f32 v33, v32  }
0xd7: {  	v56 =	vld [tilespmem:s23+$0x70];
	v24 =	vadd.f32 v24, v12;
	v12 =	vadd.f32 v21, v20;
	v20 =	vmul.f32 v50, v40  }
0xd8: {  	v59 =	vld [tilespmem:s22+$0x70];
	v21 =	vmul.f32 v49, v37;
	v11 =	vadd.f32 v13, v11;
	v13 =	vshll.u32 v42, $0x10  }
0xd9: {  	v17 =	vadd.f32 v12, v17;
	v12 =	vmul.f32 v16, v52;
	v16 =	vmul.f32 v36, v38  }
0xda: {  	v63 =	vmul.f32 v57, v13;
	v20 =	vadd.f32 v20, v25;
	v61 =	vshll.u32 v22, $0x10  }
0xdb: {  	v62 =	vmul.f32 v22, v43;
	v22 =	vmul.f32 v45, v23;
	v16 =	vadd.f32 v15, v16  }
0xdc: {  	v23 =	vshll.u32 v56, $0x10;
	v20 =	vadd.f32 v20, v19;
	v15 =	vadd.f32 v27, v24  }
0xdd: {  	v19 =	vadd.f32 v30, v21;
	v26 =	vmul.f32 v61, v60;
	v21 =	vshll.u32 v59, $0x10  }
0xde: {  	s25 =	simm.s32 $0x1;
	v13 =	vadd.f32 v20, v17;
	v20 =	vmul.f32 v23, v21;
	v21 =	vadd.f32 v63, v58  }
0xdf: {  	s26 =	sadd.s32 $0x100, s23;
	s28 =	smov.u32 s22;
	s24 =	simm.s32 $0x0;
	v17 =	vadd.f32 v18, v22;
	v22 =	vmul.f32 v56, v59;
	v18 =	vadd.f32 v26, v62  }
.LBB2_8:
0xe0: {  	p1 =	sne.s32 s25, $0x3  }
0xe1: {  	v23 =	vld [tilespmem:s26+$0xFFFFFFD0];
	v19 =	vadd.f32 v19, v11;
	v16 =	vadd.f32 v16, v21;
	s28 =	sadd.s32 $0x100, s28;
	s29 =	smov.u32 s25;
	s25 =	sadd.s32 $0x1, s25  }
0xe2: {  	v12 =	vadd.f32 v12, v14;
	v11 =	vld [tilespmem:s26+$0x20];
	v14 =	vadd.f32 v20, v22  }
0xe3: {  	v8 =	vadd.f32 v8, v9;
	v20 =	vld [tilespmem:s26+$0x0];
	v9 =	vadd.f32 v19, v15  }
0xe4: {  	v10 =	vadd.f32 v10, v12;
	v15 =	vld [tilespmem:s28+$0x0];
	v12 =	vadd.f32 v14, v18  }
0xe5: {  	v8 =	vadd.f32 v8, v17;
	v14 =	vld [tilespmem:s28+$0xFFFFFFF0];
	v17 =	vperm.xlane v9, v0  }
0xe6: {  	v18 =	vld [tilespmem:s28+$0x10];
	v12 =	vadd.f32 v12, v16  }
0xe7: {  	v8 =	vadd.f32 v10, v8;
	v16 =	vshll.u32 v23, $0x10;
	v19 =	vld [tilespmem:s26+$0x10];
	v9 =	vadd.f32 v17, v9  }
0xe8: {  	v10 =	vld [tilespmem:s26+$0xFFFFFFF0];
	v17 =	vperm.xlane v12, v0  }
0xe9: {  	v22 =	vperm.xlane v13, v0;
	v24 =	vperm.xlane v8, v0;
	v21 =	vld [tilespmem:s28+$0xFFFFFF80]  }
0xea: {  	v25 =	vld [tilespmem:s26+$0xFFFFFF80];
	v12 =	vadd.f32 v12, v17  }
0xeb: {  	v13 =	vadd.f32 v22, v13;
	v8 =	vadd.f32 v24, v8;
	v17 =	vld [tilespmem:s28+$0xFFFFFFD0]  }
0xec: {  	v22 =	vld [tilespmem:s28+$0xFFFFFF90];
	v24 =	vmul.f32 v19, v18;
	v9 =	vsel vm1, v9, v12  }
0xed: {  	v8 =	vsel vm1, v13, v8;
	v12 =	vld [tilespmem:s26+$0xFFFFFF90];
	v13 =	vperm.xlane v9, v3  }
0xee: {  	v27 =	vperm.xlane v8, v3;
	v26 =	vld [tilespmem:s28+$0xFFFFFFA0]  }
0xef: {  	v28 =	vshll.u32 v21, $0x10;
	v29 =	vshll.u32 v25, $0x10;
	v30 =	vld [tilespmem:s28+$0xFFFFFFC0];
	v9 =	vadd.f32 v9, v13  }
0xf0: {  	v32 =	vshll.u32 v10, $0x10;
	v27 =	vadd.f32 v27, v8;
	v13 =	vld [tilespmem:s26+$0xFFFFFFA0];
	v31 =	vshll.u32 v17, $0x10  }
0xf1: {  	v28 =	vmul.f32 v29, v28;
	v29 =	vshll.u32 v22, $0x10;
	v33 =	vld [tilespmem:s28+$0xFFFFFFB0];
	v8 =	vmul.f32 v16, v31  }
0xf2: {  	v27 =	vsel vm0, v27, v9;
	v16 =	vshll.u32 v12, $0x10;
	v12 =	vmul.f32 v12, v22;
	v22 =	vld [tilespmem:s26+$0xFFFFFFB0]  }
0xf3: {  	v34 =	vperm.xlane v27, v1;
	v16 =	vmul.f32 v16, v29;
	v29 =	vshll.u32 v26, $0x10;
	v31 =	vld [tilespmem:s26+$0xFFFFFFC0]  }
0xf4: {  	v21 =	vmul.f32 v25, v21;
	v9 =	vmul.f32 v23, v17;
	v25 =	vshll.u32 v30, $0x10;
	v17 =	vld [tilespmem:s28+$0xFFFFFFE0]  }
0xf5: {  	v19 =	vshll.u32 v19, $0x10;
	v27 =	vadd.f32 v27, v34;
	v23 =	vshll.u32 v13, $0x10;
	v35 =	vld [tilespmem:s26+$0xFFFFFFE0]  }
0xf6: {  	v18 =	vshll.u32 v18, $0x10;
	v23 =	vmul.f32 v23, v29;
	v29 =	vshll.u32 v14, $0x10;
	v34 =	vld [tilespmem:s28+$0x20]  }
0xf7: {  	v13 =	vmul.f32 v13, v26;
	v26 =	vmul.f32 v32, v29;
	v29 =	vld [tilespmem:s26+$0x30];
	v32 =	vmov s24;
	s24 =	smov.u32 s29  }
0xf8: {  	v36 =	vshll.u32 v22, $0x10;
	v37 =	vshll.u32 v31, $0x10;
	v38 =	vld [tilespmem:s28+$0x30];
	vm2 =	veq.s32 v32, v5  }
0xf9: {  	v21 =	vadd.f32 v28, v21;
	v28 =	vshll.u32 v15, $0x10;
	v15 =	vmul.f32 v20, v15;
	v32 =	vld [tilespmem:s26+$0x50]  }
0xfa: {  	v20 =	vshll.u32 v20, $0x10;
	v25 =	vmul.f32 v37, v25;
	v37 =	vshll.u32 v17, $0x10;
	v39 =	vld [tilespmem:s28+$0x50]  }
0xfb: {  	v10 =	vmul.f32 v10, v14;
	v14 =	vshll.u32 v11, $0x10;
	v41 =	vperm.xlane v27, v2;
	v40 =	vld [tilespmem:s26+$0x40]  }
0xfc: {  	v20 =	vmul.f32 v20, v28;
	v42 =	vshll.u32 v33, $0x10;
	v28 =	vshll.u32 v34, $0x10;
	v43 =	vld [tilespmem:s28+$0x40]  }
0xfd: {  	v10 =	vadd.f32 v26, v10;
	v26 =	vadd.f32 v27, v41;
	v14 =	vmul.f32 v14, v28  }
0xfe: {  	v15 =	vadd.f32 v20, v15;
	v27 =	vshll.u32 v35, $0x10;
	v20 =	vshll.u32 v32, $0x10  }
0xff: {  	v13 =	vadd.f32 v23, v13;
	v26 =	vperm.xlane v26, v4;
	v23 =	vshll.u32 v38, $0x10;
	v28 =	vld [tilespmem:s26+$0x60]  }
0x100: {  	v22 =	vmul.f32 v22, v33;
	v33 =	vshll.u32 v29, $0x10;
	v41 =	vshll.u32 v39, $0x10;
	v44 =	vld [tilespmem:s28+$0x60]  }
0x101: {  	v12 =	vadd.f32 v16, v12;
	v16 =	vmul.f32 v19, v18;
	v11 =	vmul.f32 v11, v34  }
0x102: {  	v18 =	vmul.f32 v36, v42;
	v19 =	vmul.f32 v29, v38;
	v7 =	vsel vm2, v26, v7;
	v29 =	vld [tilespmem:s26+$0x70]  }
0x103: {  	v21 =	vadd.f32 v12, v21;
	v11 =	vadd.f32 v14, v11;
	v26 =	vshll.u32 v43, $0x10;
	v34 =	vld [tilespmem:s28+$0x70]  }
0x104: {  	v12 =	vmul.f32 v27, v37;
	v27 =	vshll.u32 v40, $0x10;
	v36 =	vmul.f32 v40, v43  }
0x105: {  	v20 =	vmul.f32 v20, v41;
	v38 =	vshll.u32 v28, $0x10;
	v37 =	vshll.u32 v44, $0x10  }
0x106: {  	v24 =	vadd.f32 v16, v24;
	v23 =	vmul.f32 v33, v23;
	v16 =	vmul.f32 v32, v39  }
0x107: {  	v18 =	vadd.f32 v18, v22;
	v14 =	vmul.f32 v35, v17;
	v28 =	vmul.f32 v28, v44  }
.Ltmp2:
0x108: {  	v17 =	vmul.f32 v31, v30;
	v16 =	vadd.f32 v20, v16;
	v22 =	vshll.u32 v29, $0x10;
	(pc) =	sbr.rel @p1 .LBB2_8-.Ltmp2, $4  }
0x109: {  	v15 =	vadd.f32 v24, v15;
	v13 =	vadd.f32 v18, v13;
	v18 =	vmul.f32 v27, v26  }
0x10a: {  	v19 =	vadd.f32 v23, v19;
	v23 =	vmul.f32 v38, v37;
	v20 =	vshll.u32 v34, $0x10  }
0x10b: {  	v13 =	vadd.f32 v13, v21;
	v21 =	vadd.f32 v18, v36;
	v20 =	vmul.f32 v22, v20  }
0x10c: {  	v17 =	vadd.f32 v25, v17;
	s26 =	sadd.s32 $0x100, s26;
	v18 =	vadd.f32 v23, v28;
	v22 =	vmul.f32 v29, v34  }
0x10d: {  	v11 =	vadd.f32 v19, v11;
	v12 =	vadd.f32 v12, v14  }
0x10e: {  	v8 =	vadd.f32 v8, v9;
	v55 =	vadd.f32 v20, v22  }
0x10f: {  	v56 =	vadd.f32 v16, v21;
	v10 =	vadd.f32 v10, v12  }
0x110: {  	v8 =	vadd.f32 v8, v17;
	v57 =	vadd.f32 v55, v18  }
0x111: {  	v11 =	vadd.f32 v11, v15  }
0x112: {  	v8 =	vadd.f32 v10, v8;
	v9 =	vadd.f32 v57, v56  }
0x113: {  	v60 =	vperm.xlane v13, v0;
	v58 =	vperm.xlane v11, v0  }
0x114: {  	v61 =	vperm.xlane v8, v0;
	v59 =	vperm.xlane v9, v0  }
0x115: {  	v62 =	vadd.f32 v60, v13;
	v10 =	vadd.f32 v58, v11  }
0x116: {  	v8 =	vadd.f32 v61, v8;
	v9 =	vadd.f32 v9, v59;
	_ =	sdelay $0x1  }
0x117: {  	v8 =	vsel vm1, v62, v8;
	v9 =	vsel vm1, v10, v9  }
0x118: {  	v11 =	vperm.xlane v8, v3;
	v10 =	vperm.xlane v9, v3;
	_ =	sdelay $0x1  }
0x119: {  	v8 =	vadd.f32 v11, v8;
	v9 =	vadd.f32 v9, v10;
	_ =	sdelay $0x1  }
0x11a: {  	v8 =	vsel vm0, v8, v9  }
0x11b: {  	v9 =	vperm.xlane v8, v1;
	_ =	sdelay $0x1  }
0x11c: {  	v8 =	vadd.f32 v8, v9;
	_ =	sdelay $0x1  }
0x11d: {  	v9 =	vperm.xlane v8, v2;
	_ =	sdelay $0x1  }
0x11e: {  	v8 =	vadd.f32 v8, v9;
	_ =	sdelay $0x1  }
0x11f: {  	v63 =	vmov s24;
	v8 =	vperm.xlane v8, v4  }
0x120: {  	vm2 =	veq.s32 v63, v5  }
0x121: {  	v7 =	vsel vm2, v8, v7  }
0x122: {  	v7 =	vsub.f32 $0.0e+00, v7;
	_ =	sdelay $0x1  }
0x123: {  	v7 =	vmul.f32 $1.442695020e+00, v7;
	_ =	sdelay $0x1  }
0x124: {  	(erf) = vpow2.f32 v7;
	_ =	sdelay $0x8  }
0x125: {  	v7 =	vpop (erf)  }
0x126: {  	v7 =	vadd.f32 $1.000000000e+00, v7;
	_ =	sdelay $0x1  }
0x127: {  	(erf) = vrcp.f32 v7;
	_ =	sdelay $0x3  }
0x128: {  	s31 =	sshll.u32 s21, $0x4;
	s21 =	sadd.s32 $0x1, s21  }
0x129: {  	p1 =	sne.s32 s21, $0x5  }
.Ltmp3:
0x12a: {  	_ = 	snop;
	(pc) =	sbr.rel @p1 .LBB2_7-.Ltmp3, $3  }
0x12b: {  	_ =	sdelay $0x1  }
0x12c: {  	s24 =	sand.u32 $0x3FFFFFF0, s31;
	v7 =	vpop (erf)  }
0x12d: {  	s22 =	sadd.s32 $0x400, s22;
	s23 =	sadd.s32 $0x400, s23;
	[tilespmem:v6+s24+$0x0 ss:$0x1] =	vst.idx.msk $0xffff, v7  }
0x12e: {  	s20 =	sadd.s32 $0x1, s20  }
0x12f: {  	p1 =	sne.s32 s20, $0x3E  }
.Ltmp4:
0x130: {  	_ = 	snop;
	(pc) =	sbr.rel @p1 .LBB2_2-.Ltmp4, $1  }
0x131: {  	_ =	sdelay $0x3  }
0x132: {  	_ =	swait.ge [sflag:s16], $0x1400  }
0x133: {  	[sflag:s16] =	ssyncset.done $0x0  }
0x134: {  	[sflag:s16] =	ssyncadd.s32 $0xFFFFEC00  }
0x135: {  	_ =	swait.ge [sflag:s16], $0x1400  }
0x136: {  	s20 =	simm.s32 $0x0;
	[sflag:s16] =	ssyncset.done $0x0  }
0x137: {  	s21 =	simm.s32 $0x4EA0;
	s22 =	simm.s32 $0x62A0;
	[sflag:s16] =	ssyncadd.s32 $0xFFFFEC00  }
.LBB2_12:
0x138: {  	v8 =	vld [tilespmem:s22+$0xFFFFFFD0]  }
0x139: {  	v10 =	vld [tilespmem:s22+$0x20]  }
0x13a: {  	v12 =	vld [tilespmem:s21+$0xFFFFFFF0]  }
0x13b: {  	v13 =	vld [tilespmem:s21+$0x10]  }
0x13c: {  	v14 =	vld [tilespmem:s22+$0x10]  }
0x13d: {  	v15 =	vld [tilespmem:s22+$0xFFFFFFF0]  }
0x13e: {  	v16 =	vld [tilespmem:s21+$0xFFFFFF80]  }
0x13f: {  	v17 =	vld [tilespmem:s22+$0xFFFFFF80]  }
0x140: {  	v18 =	vld [tilespmem:s21+$0xFFFFFFD0]  }
0x141: {  	v19 =	vld [tilespmem:s21+$0xFFFFFF90]  }
0x142: {  	v20 =	vld [tilespmem:s22+$0xFFFFFF90]  }
0x143: {  	v21 =	vld [tilespmem:s21+$0xFFFFFFA0]  }
0x144: {  	v22 =	vld [tilespmem:s21+$0xFFFFFFC0]  }
0x145: {  	v25 =	vld [tilespmem:s22+$0xFFFFFFA0]  }
0x146: {  	v45 =	vld [tilespmem:s21+$0xFFFFFFB0]  }
0x147: {  	v29 =	vld [tilespmem:s22+$0xFFFFFFB0]  }
0x148: {  	v47 =	vld [tilespmem:s22+$0xFFFFFFC0]  }
0x149: {  	v6 =	vimm.f32 $0.0e+00;
	v31 =	vld [tilespmem:s21+$0xFFFFFFE0]  }
0x14a: {  	v33 =	vld [tilespmem:s21+$0x20];
	v7 =	vshll.u32 v8, $0x10;
	v23 =	vshll.u32 v16, $0x10;
	v24 =	vshll.u32 v17, $0x10  }
0x14b: {  	v35 =	vld [tilespmem:s22+$0x50];
	v26 =	vmul.f32 v14, v13;
	v27 =	vshll.u32 v18, $0x10;
	v28 =	vshll.u32 v19, $0x10  }
0x14c: {  	v36 =	vld [tilespmem:s21+$0x30];
	v46 =	vshll.u32 v20, $0x10;
	v30 =	vshll.u32 v15, $0x10;
	v19 =	vmul.f32 v20, v19  }
0x14d: {  	v38 =	vld [tilespmem:s22+$0x40];
	v48 =	vshll.u32 v21, $0x10;
	v16 =	vmul.f32 v17, v16;
	v17 =	vshll.u32 v22, $0x10  }
0x14e: {  	v41 =	vld [tilespmem:s21+$0x40];
	v8 =	vmul.f32 v8, v18;
	v18 =	vshll.u32 v25, $0x10;
	v14 =	vshll.u32 v14, $0x10  }
0x14f: {  	v51 =	vld [tilespmem:s22+$0x30];
	v49 =	vshll.u32 v12, $0x10;
	v13 =	vshll.u32 v13, $0x10;
	v21 =	vmul.f32 v25, v21  }
0x150: {  	v52 =	vshll.u32 v29, $0x10;
	v34 =	vshll.u32 v47, $0x10;
	v53 =	vshll.u32 v31, $0x10  }
0x151: {  	v42 =	vld [tilespmem:s21+$0x60];
	v12 =	vmul.f32 v15, v12;
	v15 =	vshll.u32 v10, $0x10;
	v39 =	vshll.u32 v45, $0x10  }
0x152: {  	v37 =	vld [tilespmem:s21+$0x50];
	v40 =	vshll.u32 v33, $0x10;
	v54 =	vshll.u32 v35, $0x10;
	v10 =	vmul.f32 v10, v33  }
0x153: {  	v11 =	vld [tilespmem:s21+$0x0];
	v55 =	vshll.u32 v36, $0x10;
	v59 =	vmul.f32 v38, v41;
	v23 =	vmul.f32 v24, v23  }
0x154: {  	v9 =	vld [tilespmem:s22+$0x0];
	v56 =	vshll.u32 v51, $0x10;
	v7 =	vmul.f32 v7, v27;
	v20 =	vmul.f32 v46, v28  }
0x155: {  	v32 =	vld [tilespmem:s22+$0xFFFFFFE0];
	v58 =	vshll.u32 v38, $0x10;
	v18 =	vmul.f32 v18, v48;
	v50 =	vmul.f32 v30, v49  }
0x156: {  	v61 =	vshll.u32 v42, $0x10;
	v17 =	vmul.f32 v34, v17;
	v24 =	vmul.f32 v29, v45  }
0x157: {  	v13 =	vmul.f32 v14, v13;
	v14 =	vshll.u32 v37, $0x10;
	v29 =	vmul.f32 v56, v55  }
0x158: {  	v14 =	vmul.f32 v54, v14;
	v16 =	vadd.f32 v23, v16;
	v23 =	vshll.u32 v11, $0x10  }
0x159: {  	v11 =	vmul.f32 v9, v11;
	v9 =	vshll.u32 v9, $0x10;
	v18 =	vadd.f32 v18, v21  }
0x15a: {  	v21 =	vld [tilespmem:s22+$0x60];
	v26 =	vadd.f32 v13, v26;
	v13 =	vmul.f32 v32, v31;
	v23 =	vmul.f32 v9, v23  }
0x15b: {  	v57 =	vld [tilespmem:s22+$0x70];
	v9 =	vadd.f32 v50, v12;
	v12 =	vmul.f32 v15, v40;
	v15 =	vshll.u32 v32, $0x10  }
0x15c: {  	v23 =	vadd.f32 v23, v11;
	v11 =	vadd.f32 v20, v19;
	v19 =	vmul.f32 v52, v39  }
0x15d: {  	v60 =	vld [tilespmem:s21+$0x70];
	v20 =	vmul.f32 v51, v36;
	v10 =	vadd.f32 v12, v10;
	v12 =	vshll.u32 v41, $0x10  }
0x15e: {  	v16 =	vadd.f32 v11, v16;
	v11 =	vmul.f32 v15, v53;
	v15 =	vmul.f32 v35, v37  }
0x15f: {  	v62 =	vshll.u32 v21, $0x10;
	v19 =	vadd.f32 v19, v24;
	v63 =	vmul.f32 v21, v42  }
0x160: {  	v21 =	vmul.f32 v47, v22;
	v22 =	vshll.u32 v57, $0x10;
	v15 =	vadd.f32 v14, v15  }
0x161: {  	v19 =	vadd.f32 v19, v18;
	v14 =	vadd.f32 v26, v23;
	v23 =	vmul.f32 v58, v12  }
0x162: {  	v25 =	vmul.f32 v62, v61;
	v18 =	vadd.f32 v29, v20;
	v20 =	vshll.u32 v60, $0x10  }
0x163: {  	s24 =	simm.s32 $0x1;
	v12 =	vadd.f32 v19, v16;
	v19 =	vmul.f32 v22, v20;
	v20 =	vadd.f32 v23, v59  }
0x164: {  	s25 =	sadd.s32 $0x100, s22;
	s26 =	smov.u32 s21;
	s23 =	simm.s32 $0x0;
	v16 =	vadd.f32 v17, v21;
	v21 =	vmul.f32 v57, v60;
	v17 =	vadd.f32 v25, v63  }
.LBB2_13:
0x165: {  	p1 =	sne.s32 s24, $0x3  }
0x166: {  	v22 =	vld [tilespmem:s25+$0xFFFFFFD0];
	v18 =	vadd.f32 v18, v10;
	v15 =	vadd.f32 v15, v20;
	s26 =	sadd.s32 $0x100, s26;
	s28 =	smov.u32 s24;
	s24 =	sadd.s32 $0x1, s24  }
0x167: {  	v11 =	vadd.f32 v11, v13;
	v10 =	vld [tilespmem:s25+$0x20];
	v13 =	vadd.f32 v19, v21  }
0x168: {  	v7 =	vadd.f32 v7, v8;
	v19 =	vld [tilespmem:s25+$0x0];
	v8 =	vadd.f32 v18, v14  }
0x169: {  	v9 =	vadd.f32 v9, v11;
	v14 =	vld [tilespmem:s26+$0x0];
	v11 =	vadd.f32 v13, v17  }
0x16a: {  	v7 =	vadd.f32 v7, v16;
	v13 =	vld [tilespmem:s26+$0xFFFFFFF0];
	v16 =	vperm.xlane v8, v0  }
0x16b: {  	v17 =	vld [tilespmem:s26+$0x10];
	v11 =	vadd.f32 v11, v15  }
0x16c: {  	v7 =	vadd.f32 v9, v7;
	v15 =	vshll.u32 v22, $0x10;
	v18 =	vld [tilespmem:s25+$0x10];
	v8 =	vadd.f32 v16, v8  }
0x16d: {  	v9 =	vld [tilespmem:s25+$0xFFFFFFF0];
	v16 =	vperm.xlane v11, v0  }
0x16e: {  	v21 =	vperm.xlane v12, v0;
	v23 =	vperm.xlane v7, v0;
	v20 =	vld [tilespmem:s26+$0xFFFFFF80]  }
0x16f: {  	v24 =	vld [tilespmem:s25+$0xFFFFFF80];
	v11 =	vadd.f32 v11, v16  }
0x170: {  	v12 =	vadd.f32 v21, v12;
	v7 =	vadd.f32 v23, v7;
	v16 =	vld [tilespmem:s26+$0xFFFFFFD0]  }
0x171: {  	v21 =	vld [tilespmem:s26+$0xFFFFFF90];
	v23 =	vmul.f32 v18, v17;
	v8 =	vsel vm1, v8, v11  }
0x172: {  	v7 =	vsel vm1, v12, v7;
	v11 =	vld [tilespmem:s25+$0xFFFFFF90];
	v12 =	vperm.xlane v8, v3  }
0x173: {  	v26 =	vperm.xlane v7, v3;
	v25 =	vld [tilespmem:s26+$0xFFFFFFA0]  }
0x174: {  	v27 =	vshll.u32 v20, $0x10;
	v28 =	vshll.u32 v24, $0x10;
	v29 =	vld [tilespmem:s26+$0xFFFFFFC0];
	v8 =	vadd.f32 v8, v12  }
0x175: {  	v31 =	vshll.u32 v9, $0x10;
	v26 =	vadd.f32 v26, v7;
	v12 =	vld [tilespmem:s25+$0xFFFFFFA0];
	v30 =	vshll.u32 v16, $0x10  }
0x176: {  	v27 =	vmul.f32 v28, v27;
	v28 =	vshll.u32 v21, $0x10;
	v32 =	vld [tilespmem:s26+$0xFFFFFFB0];
	v7 =	vmul.f32 v15, v30  }
0x177: {  	v26 =	vsel vm0, v26, v8;
	v15 =	vshll.u32 v11, $0x10;
	v11 =	vmul.f32 v11, v21;
	v21 =	vld [tilespmem:s25+$0xFFFFFFB0]  }
0x178: {  	v33 =	vperm.xlane v26, v1;
	v15 =	vmul.f32 v15, v28;
	v28 =	vshll.u32 v25, $0x10;
	v30 =	vld [tilespmem:s25+$0xFFFFFFC0]  }
0x179: {  	v20 =	vmul.f32 v24, v20;
	v8 =	vmul.f32 v22, v16;
	v24 =	vshll.u32 v29, $0x10;
	v16 =	vld [tilespmem:s26+$0xFFFFFFE0]  }
0x17a: {  	v18 =	vshll.u32 v18, $0x10;
	v26 =	vadd.f32 v26, v33;
	v22 =	vshll.u32 v12, $0x10;
	v34 =	vld [tilespmem:s25+$0xFFFFFFE0]  }
0x17b: {  	v17 =	vshll.u32 v17, $0x10;
	v22 =	vmul.f32 v22, v28;
	v28 =	vshll.u32 v13, $0x10;
	v33 =	vld [tilespmem:s26+$0x20]  }
0x17c: {  	v12 =	vmul.f32 v12, v25;
	v25 =	vmul.f32 v31, v28;
	v28 =	vld [tilespmem:s25+$0x30];
	v31 =	vmov s23;
	s23 =	smov.u32 s28  }
0x17d: {  	v35 =	vshll.u32 v21, $0x10;
	v36 =	vshll.u32 v30, $0x10;
	v37 =	vld [tilespmem:s26+$0x30];
	vm2 =	veq.s32 v31, v5  }
0x17e: {  	v20 =	vadd.f32 v27, v20;
	v27 =	vshll.u32 v14, $0x10;
	v14 =	vmul.f32 v19, v14;
	v31 =	vld [tilespmem:s25+$0x50]  }
0x17f: {  	v19 =	vshll.u32 v19, $0x10;
	v24 =	vmul.f32 v36, v24;
	v36 =	vshll.u32 v16, $0x10;
	v38 =	vld [tilespmem:s26+$0x50]  }
0x180: {  	v9 =	vmul.f32 v9, v13;
	v13 =	vshll.u32 v10, $0x10;
	v40 =	vperm.xlane v26, v2;
	v39 =	vld [tilespmem:s25+$0x40]  }
0x181: {  	v19 =	vmul.f32 v19, v27;
	v41 =	vshll.u32 v32, $0x10;
	v27 =	vshll.u32 v33, $0x10;
	v42 =	vld [tilespmem:s26+$0x40]  }
0x182: {  	v9 =	vadd.f32 v25, v9;
	v25 =	vadd.f32 v26, v40;
	v13 =	vmul.f32 v13, v27  }
0x183: {  	v14 =	vadd.f32 v19, v14;
	v26 =	vshll.u32 v34, $0x10;
	v19 =	vshll.u32 v31, $0x10  }
0x184: {  	v12 =	vadd.f32 v22, v12;
	v25 =	vperm.xlane v25, v4;
	v22 =	vshll.u32 v37, $0x10;
	v27 =	vld [tilespmem:s25+$0x60]  }
0x185: {  	v21 =	vmul.f32 v21, v32;
	v32 =	vshll.u32 v28, $0x10;
	v40 =	vshll.u32 v38, $0x10;
	v43 =	vld [tilespmem:s26+$0x60]  }
0x186: {  	v11 =	vadd.f32 v15, v11;
	v15 =	vmul.f32 v18, v17;
	v10 =	vmul.f32 v10, v33  }
0x187: {  	v17 =	vmul.f32 v35, v41;
	v18 =	vmul.f32 v28, v37;
	v6 =	vsel vm2, v25, v6;
	v28 =	vld [tilespmem:s25+$0x70]  }
0x188: {  	v20 =	vadd.f32 v11, v20;
	v10 =	vadd.f32 v13, v10;
	v25 =	vshll.u32 v42, $0x10;
	v33 =	vld [tilespmem:s26+$0x70]  }
0x189: {  	v11 =	vmul.f32 v26, v36;
	v26 =	vshll.u32 v39, $0x10;
	v35 =	vmul.f32 v39, v42  }
0x18a: {  	v19 =	vmul.f32 v19, v40;
	v37 =	vshll.u32 v27, $0x10;
	v36 =	vshll.u32 v43, $0x10  }
0x18b: {  	v23 =	vadd.f32 v15, v23;
	v22 =	vmul.f32 v32, v22;
	v15 =	vmul.f32 v31, v38  }
0x18c: {  	v17 =	vadd.f32 v17, v21;
	v13 =	vmul.f32 v34, v16;
	v27 =	vmul.f32 v27, v43  }
.Ltmp5:
0x18d: {  	v16 =	vmul.f32 v30, v29;
	v15 =	vadd.f32 v19, v15;
	v21 =	vshll.u32 v28, $0x10;
	(pc) =	sbr.rel @p1 .LBB2_13-.Ltmp5, $4  }
0x18e: {  	v14 =	vadd.f32 v23, v14;
	v12 =	vadd.f32 v17, v12;
	v17 =	vmul.f32 v26, v25  }
0x18f: {  	v18 =	vadd.f32 v22, v18;
	v22 =	vmul.f32 v37, v36;
	v19 =	vshll.u32 v33, $0x10  }
0x190: {  	v12 =	vadd.f32 v12, v20;
	v20 =	vadd.f32 v17, v35;
	v19 =	vmul.f32 v21, v19  }
0x191: {  	v16 =	vadd.f32 v24, v16;
	s25 =	sadd.s32 $0x100, s25;
	v17 =	vadd.f32 v22, v27;
	v21 =	vmul.f32 v28, v33  }
0x192: {  	v10 =	vadd.f32 v18, v10;
	v11 =	vadd.f32 v11, v13  }
0x193: {  	v7 =	vadd.f32 v7, v8;
	v55 =	vadd.f32 v19, v21  }
0x194: {  	v56 =	vadd.f32 v15, v20;
	v9 =	vadd.f32 v9, v11  }
0x195: {  	v7 =	vadd.f32 v7, v16;
	v57 =	vadd.f32 v55, v17  }
0x196: {  	v10 =	vadd.f32 v10, v14  }
0x197: {  	v7 =	vadd.f32 v9, v7;
	v8 =	vadd.f32 v57, v56  }
0x198: {  	v60 =	vperm.xlane v12, v0;
	v58 =	vperm.xlane v10, v0  }
0x199: {  	v61 =	vperm.xlane v7, v0;
	v59 =	vperm.xlane v8, v0  }
0x19a: {  	v62 =	vadd.f32 v60, v12;
	v9 =	vadd.f32 v58, v10  }
0x19b: {  	v7 =	vadd.f32 v61, v7;
	v8 =	vadd.f32 v8, v59;
	_ =	sdelay $0x1  }
0x19c: {  	v7 =	vsel vm1, v62, v7;
	v8 =	vsel vm1, v9, v8  }
0x19d: {  	v10 =	vperm.xlane v7, v3;
	v9 =	vperm.xlane v8, v3;
	_ =	sdelay $0x1  }
0x19e: {  	v7 =	vadd.f32 v10, v7;
	v8 =	vadd.f32 v8, v9;
	_ =	sdelay $0x1  }
0x19f: {  	v7 =	vsel vm0, v7, v8  }
0x1a0: {  	v8 =	vperm.xlane v7, v1;
	_ =	sdelay $0x1  }
0x1a1: {  	v7 =	vadd.f32 v7, v8;
	_ =	sdelay $0x1  }
0x1a2: {  	v8 =	vperm.xlane v7, v2;
	_ =	sdelay $0x1  }
0x1a3: {  	v7 =	vadd.f32 v7, v8;
	_ =	sdelay $0x1  }
0x1a4: {  	v63 =	vmov s23;
	v7 =	vperm.xlane v7, v4  }
0x1a5: {  	vm2 =	veq.s32 v63, v5  }
0x1a6: {  	v6 =	vsel vm2, v7, v6  }
0x1a7: {  	v6 =	vsub.f32 $0.0e+00, v6;
	_ =	sdelay $0x1  }
0x1a8: {  	v6 =	vmul.f32 $1.442695020e+00, v6;
	_ =	sdelay $0x1  }
0x1a9: {  	(erf) = vpow2.f32 v6;
	_ =	sdelay $0x8  }
0x1aa: {  	v6 =	vpop (erf)  }
0x1ab: {  	v6 =	vadd.f32 $1.000000000e+00, v6;
	_ =	sdelay $0x1  }
0x1ac: {  	(erf) = vrcp.f32 v6;
	_ =	sdelay $0x3  }
0x1ad: {  	s31 =	sshll.u32 s20, $0x4;
	s20 =	sadd.s32 $0x1, s20  }
0x1ae: {  	p1 =	sne.s32 s20, $0x5  }
.Ltmp6:
0x1af: {  	_ = 	snop;
	(pc) =	sbr.rel @p1 .LBB2_12-.Ltmp6, $3  }
0x1b0: {  	_ =	sdelay $0x1  }
0x1b1: {  	s23 =	sand.u32 $0x3FFFFFF0, s31;
	v6 =	vpop (erf)  }
0x1b2: {  	s21 =	sadd.s32 $0x400, s21;
	s22 =	sadd.s32 $0x400, s22;
	[tilespmem:s23+$0xC4E0] =	vst v6  }
0x1b3: {  	s19 =	sadd.s32 $0x1, s19  }
0x1b4: {  	p1 =	sne.s32 s19, s7  }
.Ltmp7:
0x1b5: {  	_ = 	snop;
	(pc) =	sbr.rel @p1 .LBB2_1-.Ltmp7, $4  }
0x1b6: {  	[hbm4b:s6+s2] =	stream.linear.scatter [tilespmem:s18], [sflag:$0x3], $0x2710, $0x38;
	[tilespmem:$0x16170] =	vst v63  }
0x1b7: {  	_ =	swait.ge [sflag:s9], $0x2710  }
0x1b8: {  	[sflag:s9] =	ssyncset.done $0x0  }
0x1b9: {  	[sflag:s9] =	ssyncadd.s32 $0xFFFFD8F0  }
0x1ba: {  	_ =	sfence.sel $0x180000  }
0x1bb: {  	[bflag:$0x0] =	sbarrier.arrive $0xFFFF  }
0x1bc: {  	_ =	strace $0x90000047  }
0x1bd: {  	s0 =	sadd.s32 @!p0 $0x100000, s0;
	[bflag:$0x2] =	sbarrier.arrive $0xFFFF  }
0x1be: {  	[sflag:s0] =	ssyncadd.tile.s32 @!p0 $0x1;
	_ =	shalt  }
.Lfunc_end2:
_tile_overlayer_lowered:
.L_overlay_start_2:
0x1bf: {  	(tag) =	ssettag $0x2  }
0x1c0: {  	s0 =	rddreg [dreg:$0x0];
	s2 =	stileid.u32  }
0x1c1: {  	s1 =	rddreg [dreg:$0x1];
	p0 =	sne.s32 s2, $0x0  }
0x1c2: {  	s3 =	rddreg [dreg:$0x2];
	[bflag:$0x3] =	sbarrier.arrive $0xFFFF;
	s2 =	simm.s32 @!p0 $0x1C03  }
0x1c3: {  	[timem:s3], [sflag:s2] =	dma.local @!p0 [hbm:s0], s1  }
0x1c4: {  	s0 =	simm.s32 @!p0 $0x3  }
0x1c5: {  	_ =	swait.ge @!p0 [sflag:s0], s1  }
0x1c6: {  	s1 =	ssub.s32 @!p0 $0x0, s1;
	[sflag:s0] =	ssyncset.done @!p0 $0x0  }
0x1c7: {  	[sflag:s0] =	ssyncadd.s32 @!p0 s1  }
0x1c8: {  	[bflag:$0x3] =	sbarrier.arrive $0xFFFF  }
0x1c9: {  	_ =	shalt  }

</sc_bundles>
